<compile_context>
chip_gen: v7x
topology: tpu7x:2x2x1
jax: 0.10.2.dev20260603
libtpu: 0.0.44.dev20260713+nightly
codegen_flags: <defaults>
</compile_context>

<pallas_src>
import functools

import jax
import jax.numpy as jnp
from jax import lax
from jax.experimental import pallas as pl
from jax.experimental.pallas import tpu as pltpu
from jax.experimental.pallas import tpu_sc as plsc

NC = 2
NS = 16
NW = NC * NS
CHUNK = 128
SUP = 8


def _sc_features(x, src_slab, dst_slab, n_chunks, n_acc, d):
    stripe = n_acc // NS
    mesh = plsc.VectorSubcoreMesh(core_axis_name="c", subcore_axis_name="s")

    @functools.partial(
        pl.kernel,
        out_type=jax.ShapeDtypeStruct((NC, n_acc, d), jnp.float32),
        mesh=mesh,
        scratch_types=[
            pltpu.VMEM((CHUNK,), jnp.int32),
            pltpu.VMEM((CHUNK,), jnp.int32),
            pltpu.VMEM((CHUNK, d), jnp.float32),
            pltpu.VMEM_SHARED((n_acc, d), jnp.float32),
            pltpu.SemaphoreType.DMA,
        ],
    )
    def agg(x_hbm, src_hbm, dst_hbm, acc_out, src_c, dst_c, rows_v, acc_sh, sem):
        c = lax.axis_index("c")
        s = lax.axis_index("s")
        wid = c * NS + s
        zero16 = jnp.zeros((16,), jnp.float32)

        def init_row(i, _):
            for k in range(d // 16):
                rows_v[i, pl.ds(16 * k, 16)] = zero16
            return 0
        lax.fori_loop(0, CHUNK, init_row, 0)

        for t in range(stripe // CHUNK):
            pltpu.sync_copy(rows_v, acc_sh.at[pl.ds(s * stripe + t * CHUNK, CHUNK)])
        plsc.subcore_barrier()

        def body(j, _):
            pltpu.sync_copy(src_hbm.at[wid, j], src_c)
            pltpu.sync_copy(dst_hbm.at[wid, j], dst_c)
            pltpu.async_copy(x_hbm.at[src_c], rows_v, sem).wait()
            pltpu.sync_copy(rows_v, acc_sh.at[dst_c], add=True)
            return 0
        lax.fori_loop(0, n_chunks, body, 0)
        plsc.subcore_barrier()

        for t in range(stripe // CHUNK):
            base = s * stripe + t * CHUNK
            pltpu.sync_copy(acc_sh.at[pl.ds(base, CHUNK)], rows_v)
            pltpu.sync_copy(rows_v, acc_out.at[c, pl.ds(base, CHUNK)])

    return agg(x, src_slab, dst_slab)


def _sc_degrees(dst_slab, n_chunks, n_acc, d):
    stripe = n_acc // NS
    mesh = plsc.VectorSubcoreMesh(core_axis_name="c", subcore_axis_name="s")

    n_sup = n_chunks // SUP

    @functools.partial(
        pl.kernel,
        out_type=jax.ShapeDtypeStruct((NC, n_acc, d), jnp.float32),
        mesh=mesh,
        scratch_types=[
            pltpu.VMEM((SUP, CHUNK), jnp.int32),
            pltpu.VMEM((CHUNK, d), jnp.float32),
            pltpu.VMEM_SHARED((n_acc, d), jnp.float32),
            pltpu.SemaphoreType.DMA,
        ],
    )
    def deg(dst_hbm, deg_out, dst_s, e0_v, deg_sh, sem):
        c = lax.axis_index("c")
        s = lax.axis_index("s")
        wid = c * NS + s
        zero16 = jnp.zeros((16,), jnp.float32)
        e0 = jnp.where(lax.iota(jnp.int32, 16) == 0, 1.0, 0.0)

        def init_zero(i, _):
            for k in range(d // 16):
                e0_v[i, pl.ds(16 * k, 16)] = zero16
            return 0
        lax.fori_loop(0, CHUNK, init_zero, 0)
        for t in range(stripe // CHUNK):
            pltpu.sync_copy(e0_v, deg_sh.at[pl.ds(s * stripe + t * CHUNK, CHUNK)])

        def init_e0(i, _):
            e0_v[i, pl.ds(0, 16)] = e0
            return 0
        lax.fori_loop(0, CHUNK, init_e0, 0)
        plsc.subcore_barrier()

        def sup_body(g, _):
            pltpu.sync_copy(dst_hbm.at[wid, pl.ds(g * SUP, SUP)], dst_s)
            descs = [
                pltpu.async_copy(e0_v, deg_sh.at[dst_s.at[k]], sem, add=True)
                for k in range(SUP)
            ]
            for dsc in descs:
                dsc.wait()
            return 0
        lax.fori_loop(0, n_sup, sup_body, 0)
        plsc.subcore_barrier()

        for t in range(stripe // CHUNK):
            base = s * stripe + t * CHUNK
            pltpu.sync_copy(deg_sh.at[pl.ds(base, CHUNK)], e0_v)
            pltpu.sync_copy(e0_v, deg_out.at[c, pl.ds(base, CHUNK)])

    return deg(dst_slab)


def _tc_root_body(x_ref, rw_ref, b_ref, o_ref):
    o_ref[...] = (
        jnp.dot(x_ref[...], rw_ref[...], preferred_element_type=jnp.float32)
        + b_ref[...]
    )


def _tc_body(acc_ref, deg_ref, root_ref, w_ref, o_ref):
    summed = acc_ref[0] + acc_ref[1]
    deg = jnp.sum(deg_ref[0] + deg_ref[1], axis=1, keepdims=True)
    mean = summed / jnp.maximum(deg, 1.0)
    o_ref[...] = (
        jnp.dot(mean, w_ref[...], preferred_element_type=jnp.float32)
        + root_ref[...]
    )


def kernel(x, edge_index, weight, root_weight, bias):
    n, d = x.shape
    e = edge_index.shape[1]

    n_acc = -(-(n + 1) // (NS * CHUNK)) * (NS * CHUNK)

    src = edge_index[0].astype(jnp.int32)
    dst = edge_index[1].astype(jnp.int32)

    n_chunks_f = -(-e // (NW * CHUNK))
    e_pad_f = NW * n_chunks_f * CHUNK
    pad_f = e_pad_f - e
    src_f = jnp.concatenate([src, jnp.zeros((pad_f,), jnp.int32)])
    dst_f = jnp.concatenate([dst, jnp.full((pad_f,), n_acc - 1, jnp.int32)])
    src_f = src_f.reshape(NW, n_chunks_f, CHUNK)
    dst_f = dst_f.reshape(NW, n_chunks_f, CHUNK)

    n_chunks_d = -(-e // (NW * CHUNK * SUP)) * SUP
    e_pad_d = NW * n_chunks_d * CHUNK
    pad_d = e_pad_d - e
    dst_d = jnp.concatenate([dst, jnp.full((pad_d,), n_acc - 1, jnp.int32)])
    dst_d = dst_d.reshape(NW, n_chunks_d, CHUNK)

    acc = _sc_features(x, src_f, dst_f, n_chunks_f, n_acc, d)
    deg = _sc_degrees(dst_d, n_chunks_d, n_acc, d)

    xp = jnp.concatenate([x, jnp.zeros((n_acc - n, d), jnp.float32)])
    bias2 = bias.reshape(1, d)

    blk = 512
    root = pl.pallas_call(
        _tc_root_body,
        grid=(n_acc // blk,),
        in_specs=[
            pl.BlockSpec((blk, d), lambda i: (i, 0)),
            pl.BlockSpec((d, d), lambda i: (0, 0)),
            pl.BlockSpec((1, d), lambda i: (0, 0)),
        ],
        out_specs=pl.BlockSpec((blk, d), lambda i: (i, 0)),
        out_shape=jax.ShapeDtypeStruct((n_acc, d), jnp.float32),
    )(xp, root_weight, bias2)

    out = pl.pallas_call(
        _tc_body,
        grid=(n_acc // blk,),
        in_specs=[
            pl.BlockSpec((NC, blk, d), lambda i: (0, i, 0)),
            pl.BlockSpec((NC, blk, d), lambda i: (0, i, 0)),
            pl.BlockSpec((blk, d), lambda i: (i, 0)),
            pl.BlockSpec((d, d), lambda i: (0, 0)),
        ],
        out_specs=pl.BlockSpec((blk, d), lambda i: (i, 0)),
        out_shape=jax.ShapeDtypeStruct((n_acc, d), jnp.float32),
    )(acc, deg, root, weight)

    return out[:n]

# --- scband reference (transcript-rebuilt; emitter-appended) ---
"""Pipeline reference for scband-sageconv-30081950941520 (READ-ONLY COPY).

The authoritative reference and input builder live on the scoring server;
editing this copy changes nothing except your own understanding.
"""

import jax, jax.numpy as jnp
import numpy as np

N = 10000
E = 320000
D_IN = 128
D_OUT = 128


def setup_inputs(seed: int = 0) -> dict:
    key = jax.random.key(seed)
    k_x, k_ei, k_w, k_rw = jax.random.split(key, 4)
    x = jax.random.normal(k_x, (N, D_IN), dtype=jnp.float32)
    edge_index = jax.random.randint(k_ei, (2, E), 0, N, dtype=jnp.int64)
    # glorot init for weights, zeros for bias (matches reset_parameters)
    scale = jnp.sqrt(6.0 / (D_IN + D_OUT))
    weight = jax.random.uniform(k_w, (D_IN, D_OUT), dtype=jnp.float32, minval=-scale, maxval=scale)
    root_weight = jax.random.uniform(k_rw, (D_IN, D_OUT), dtype=jnp.float32, minval=-scale, maxval=scale)
    bias = jnp.zeros((D_OUT,), dtype=jnp.float32)
    return {"x": x, "edge_index": edge_index, "weight": weight, "root_weight": root_weight, "bias": bias}


def reference(x, edge_index, weight, root_weight, bias):
    # adj.matmul(x, reduce='mean'): mean-aggregate neighbor features per destination node
    src = edge_index[0]
    dst = edge_index[1]
    msg = jnp.take(x, src, axis=0)                       # gather   [E, D_IN]
    summed = jax.ops.segment_sum(msg, dst, num_segments=N)  # scatter-add [N, D_IN]
    deg = jax.ops.segment_sum(jnp.ones((E,), dtype=x.dtype), dst, num_segments=N)
    mean = summed / jnp.clip(deg, 1.0)[:, None]
    out = mean @ weight + x @ root_weight + bias
    return out

if __name__ == "__main__":
    import jax
    _d = setup_inputs()
    print(jax.jit(kernel)(*tuple(_d.values())))

</pallas_src>

<mosaic_0001>
#map = affine_map<(d0, d1) -> (0, 0)>
#map1 = affine_map<(d0, d1) -> (0, 0, 0)>
module attributes {stable_mosaic.version = 14 : i64} {
  func.func @agg(%arg0: i32, %arg1: i32, %arg2: memref<10000x128xf32, #tpu.memory_space<hbm>>, %arg3: memref<32x79x128xi32, #tpu.memory_space<hbm>>, %arg4: memref<32x79x128xi32, #tpu.memory_space<hbm>>, %arg5: memref<2x10240x128xf32, #tpu.memory_space<hbm>>, %arg6: memref<128xi32, #tpu.memory_space<vmem>>, %arg7: memref<128xi32, #tpu.memory_space<vmem>>, %arg8: memref<128x128xf32, #tpu.memory_space<vmem>>, %arg9: memref<10240x128xf32, #tpu.memory_space<vmem_shared>>, %arg10: memref<!tpu.dma_semaphore, #tpu.memory_space<semaphore_mem>>) attributes {dimension_semantics = [#tpu.dimension_semantics<core_parallel>, #tpu.dimension_semantics<subcore_parallel>], iteration_bounds = array<i64: 2, 16>, scalar_prefetch = 0 : i64, scratch_operands = 5 : i64, tpu.core_type = #tpu.core_type<sc_vector_subcore>, window_params = [{transform_indices = #map}, {transform_indices = #map1}, {transform_indices = #map1}, {transform_indices = #map1}]} {
    %mul3A = arith.constant 16 : i32
    %mul3A_0 = arith.muli %arg0, %mul3A : i32
    %add3A = arith.addi %mul3A_0, %arg1 : i32
    %broadcast_in_dim3A = arith.constant 0.000000e+00 : f32
    %broadcast_in_dim3A_1 = vector.broadcast %broadcast_in_dim3A : f32 to vector<16xf32>
    %scan3A = arith.constant 0 : i32
    %scan3A_2 = arith.constant 0 : i32
    %scan3A_3 = arith.constant 128 : i32
    %scan3A_4 = arith.addi %scan3A_2, %scan3A_3 : i32
    %scan3A_5 = arith.constant 1 : i32
    %scan3A_6 = scf.for %scan3A_56 = %scan3A_2 to %scan3A_4 step %scan3A_5 iter_args(%scan3A_57 = %scan3A) -> (i32)  : i32 {
      %swap3A = arith.index_cast %scan3A_56 : i32 to index
      %swap3A_58 = arith.constant 0 : index
      %swap3A_59 = tpu.vector_load %arg8[%swap3A, %swap3A_58] {strides = array<i32>} : memref<128x128xf32, #tpu.memory_space<vmem>>, vector<1x16xf32>,
      %swap3A_60 = vector.shape_cast %swap3A_59 : vector<1x16xf32> to vector<16xf32>
      %swap3A_61 = vector.shape_cast %broadcast_in_dim3A_1 : vector<16xf32> to vector<1x16xf32>
      tpu.vector_store %arg8[%swap3A, %swap3A_58], %swap3A_61 {strides = array<i32>} : memref<128x128xf32, #tpu.memory_space<vmem>>, vector<1x16xf32>,
      %swap3A_62 = arith.index_cast %scan3A_56 : i32 to index
      %swap3A_63 = arith.constant 16 : index
      %swap3A_64 = tpu.vector_load %arg8[%swap3A_62, %swap3A_63] {strides = array<i32>} : memref<128x128xf32, #tpu.memory_space<vmem>>, vector<1x16xf32>,
      %swap3A_65 = vector.shape_cast %swap3A_64 : vector<1x16xf32> to vector<16xf32>
      %swap3A_66 = vector.shape_cast %broadcast_in_dim3A_1 : vector<16xf32> to vector<1x16xf32>
      tpu.vector_store %arg8[%swap3A_62, %swap3A_63], %swap3A_66 {strides = array<i32>} : memref<128x128xf32, #tpu.memory_space<vmem>>, vector<1x16xf32>,
      %swap3A_67 = arith.index_cast %scan3A_56 : i32 to index
      %swap3A_68 = arith.constant 32 : index
      %swap3A_69 = tpu.vector_load %arg8[%swap3A_67, %swap3A_68] {strides = array<i32>} : memref<128x128xf32, #tpu.memory_space<vmem>>, vector<1x16xf32>,
      %swap3A_70 = vector.shape_cast %swap3A_69 : vector<1x16xf32> to vector<16xf32>
      %swap3A_71 = vector.shape_cast %broadcast_in_dim3A_1 : vector<16xf32> to vector<1x16xf32>
      tpu.vector_store %arg8[%swap3A_67, %swap3A_68], %swap3A_71 {strides = array<i32>} : memref<128x128xf32, #tpu.memory_space<vmem>>, vector<1x16xf32>,
      %swap3A_72 = arith.index_cast %scan3A_56 : i32 to index
      %swap3A_73 = arith.constant 48 : index
      %swap3A_74 = tpu.vector_load %arg8[%swap3A_72, %swap3A_73] {strides = array<i32>} : memref<128x128xf32, #tpu.memory_space<vmem>>, vector<1x16xf32>,
      %swap3A_75 = vector.shape_cast %swap3A_74 : vector<1x16xf32> to vector<16xf32>
      %swap3A_76 = vector.shape_cast %broadcast_in_dim3A_1 : vector<16xf32> to vector<1x16xf32>
      tpu.vector_store %arg8[%swap3A_72, %swap3A_73], %swap3A_76 {strides = array<i32>} : memref<128x128xf32, #tpu.memory_space<vmem>>, vector<1x16xf32>,
      %swap3A_77 = arith.index_cast %scan3A_56 : i32 to index
      %swap3A_78 = arith.constant 64 : index
      %swap3A_79 = tpu.vector_load %arg8[%swap3A_77, %swap3A_78] {strides = array<i32>} : memref<128x128xf32, #tpu.memory_space<vmem>>, vector<1x16xf32>,
      %swap3A_80 = vector.shape_cast %swap3A_79 : vector<1x16xf32> to vector<16xf32>
      %swap3A_81 = vector.shape_cast %broadcast_in_dim3A_1 : vector<16xf32> to vector<1x16xf32>
      tpu.vector_store %arg8[%swap3A_77, %swap3A_78], %swap3A_81 {strides = array<i32>} : memref<128x128xf32, #tpu.memory_space<vmem>>, vector<1x16xf32>,
      %swap3A_82 = arith.index_cast %scan3A_56 : i32 to index
      %swap3A_83 = arith.constant 80 : index
      %swap3A_84 = tpu.vector_load %arg8[%swap3A_82, %swap3A_83] {strides = array<i32>} : memref<128x128xf32, #tpu.memory_space<vmem>>, vector<1x16xf32>,
      %swap3A_85 = vector.shape_cast %swap3A_84 : vector<1x16xf32> to vector<16xf32>
      %swap3A_86 = vector.shape_cast %broadcast_in_dim3A_1 : vector<16xf32> to vector<1x16xf32>
      tpu.vector_store %arg8[%swap3A_82, %swap3A_83], %swap3A_86 {strides = array<i32>} : memref<128x128xf32, #tpu.memory_space<vmem>>, vector<1x16xf32>,
      %swap3A_87 = arith.index_cast %scan3A_56 : i32 to index
      %swap3A_88 = arith.constant 96 : index
      %swap3A_89 = tpu.vector_load %arg8[%swap3A_87, %swap3A_88] {strides = array<i32>} : memref<128x128xf32, #tpu.memory_space<vmem>>, vector<1x16xf32>,
      %swap3A_90 = vector.shape_cast %swap3A_89 : vector<1x16xf32> to vector<16xf32>
      %swap3A_91 = vector.shape_cast %broadcast_in_dim3A_1 : vector<16xf32> to vector<1x16xf32>
      tpu.vector_store %arg8[%swap3A_87, %swap3A_88], %swap3A_91 {strides = array<i32>} : memref<128x128xf32, #tpu.memory_space<vmem>>, vector<1x16xf32>,
      %swap3A_92 = arith.index_cast %scan3A_56 : i32 to index
      %swap3A_93 = arith.constant 112 : index
      %swap3A_94 = tpu.vector_load %arg8[%swap3A_92, %swap3A_93] {strides = array<i32>} : memref<128x128xf32, #tpu.memory_space<vmem>>, vector<1x16xf32>,
      %swap3A_95 = vector.shape_cast %swap3A_94 : vector<1x16xf32> to vector<16xf32>
      %swap3A_96 = vector.shape_cast %broadcast_in_dim3A_1 : vector<16xf32> to vector<1x16xf32>
      tpu.vector_store %arg8[%swap3A_92, %swap3A_93], %swap3A_96 {strides = array<i32>} : memref<128x128xf32, #tpu.memory_space<vmem>>, vector<1x16xf32>,
      %scan3A_97 = arith.constant 0 : i32
      scf.yield %scan3A_97 : i32
    }
    %scan3A_7 = arith.constant 128 : i32
    %mul3A_8 = arith.constant 640 : i32
    %mul3A_9 = arith.muli %arg1, %mul3A_8 : i32
    %add3A_10 = arith.constant 0 : i32
    %add3A_11 = arith.addi %mul3A_9, %add3A_10 : i32
    "tpu.region"() ({
      %run_scoped3A = tpu.sem_alloc : memref<!tpu.dma_semaphore, #tpu.memory_space<semaphore_mem>>
      %dma_start3A = arith.constant 0 : i32
      %dma_start3A_56 = tpu.memref_slice %arg9[%add3A_11, %dma_start3A] : memref<10240x128xf32, #tpu.memory_space<vmem_shared>> -> memref<128x128xf32, #tpu.memory_space<vmem_shared>>
      %dma_start3A_57 = arith.constant 0 : i32
      %dma_start3A_58 = tpu.memref_slice %arg9[%add3A_11, %dma_start3A_57] : memref<10240x128xf32, #tpu.memory_space<vmem_shared>> -> memref<128x128xf32, #tpu.memory_space<vmem_shared>>
      tpu.enqueue_dma source(%arg8 : memref<128x128xf32, #tpu.memory_space<vmem>>) target(%dma_start3A_58 : memref<128x128xf32, #tpu.memory_space<vmem_shared>>) target_semaphore(%run_scoped3A : memref<!tpu.dma_semaphore, #tpu.memory_space<semaphore_mem>>)
      %dma_wait3A = arith.constant 0 : i32
      %dma_wait3A_59 = tpu.memref_slice %arg9[%add3A_11, %dma_wait3A] : memref<10240x128xf32, #tpu.memory_space<vmem_shared>> -> memref<128x128xf32, #tpu.memory_space<vmem_shared>>
      %dma_wait3A_60 = arith.constant 0 : i32
      %dma_wait3A_61 = tpu.memref_slice %arg9[%add3A_11, %dma_wait3A_60] : memref<10240x128xf32, #tpu.memory_space<vmem_shared>> -> memref<128x128xf32, #tpu.memory_space<vmem_shared>>
      tpu.wait_dma2 semaphore(%run_scoped3A : memref<!tpu.dma_semaphore, #tpu.memory_space<semaphore_mem>>) src(%arg8 : memref<128x128xf32, #tpu.memory_space<vmem>>) dst(%dma_wait3A_61 : memref<128x128xf32, #tpu.memory_space<vmem_shared>>)
      tpu.yield
    }) : () -> ()
    %mul3A_12 = arith.constant 640 : i32
    %mul3A_13 = arith.muli %arg1, %mul3A_12 : i32
    %add3A_14 = arith.constant 128 : i32
    %add3A_15 = arith.addi %mul3A_13, %add3A_14 : i32
    "tpu.region"() ({
      %run_scoped3A = tpu.sem_alloc : memref<!tpu.dma_semaphore, #tpu.memory_space<semaphore_mem>>
      %dma_start3A = arith.constant 0 : i32
      %dma_start3A_56 = tpu.memref_slice %arg9[%add3A_15, %dma_start3A] : memref<10240x128xf32, #tpu.memory_space<vmem_shared>> -> memref<128x128xf32, #tpu.memory_space<vmem_shared>>
      %dma_start3A_57 = arith.constant 0 : i32
      %dma_start3A_58 = tpu.memref_slice %arg9[%add3A_15, %dma_start3A_57] : memref<10240x128xf32, #tpu.memory_space<vmem_shared>> -> memref<128x128xf32, #tpu.memory_space<vmem_shared>>
      tpu.enqueue_dma source(%arg8 : memref<128x128xf32, #tpu.memory_space<vmem>>) target(%dma_start3A_58 : memref<128x128xf32, #tpu.memory_space<vmem_shared>>) target_semaphore(%run_scoped3A : memref<!tpu.dma_semaphore, #tpu.memory_space<semaphore_mem>>)
      %dma_wait3A = arith.constant 0 : i32
      %dma_wait3A_59 = tpu.memref_slice %arg9[%add3A_15, %dma_wait3A] : memref<10240x128xf32, #tpu.memory_space<vmem_shared>> -> memref<128x128xf32, #tpu.memory_space<vmem_shared>>
      %dma_wait3A_60 = arith.constant 0 : i32
      %dma_wait3A_61 = tpu.memref_slice %arg9[%add3A_15, %dma_wait3A_60] : memref<10240x128xf32, #tpu.memory_space<vmem_shared>> -> memref<128x128xf32, #tpu.memory_space<vmem_shared>>
      tpu.wait_dma2 semaphore(%run_scoped3A : memref<!tpu.dma_semaphore, #tpu.memory_space<semaphore_mem>>) src(%arg8 : memref<128x128xf32, #tpu.memory_space<vmem>>) dst(%dma_wait3A_61 : memref<128x128xf32, #tpu.memory_space<vmem_shared>>)
      tpu.yield
    }) : () -> ()
    %mul3A_16 = arith.constant 640 : i32
    %mul3A_17 = arith.muli %arg1, %mul3A_16 : i32
    %add3A_18 = arith.constant 256 : i32
    %add3A_19 = arith.addi %mul3A_17, %add3A_18 : i32
    "tpu.region"() ({
      %run_scoped3A = tpu.sem_alloc : memref<!tpu.dma_semaphore, #tpu.memory_space<semaphore_mem>>
      %dma_start3A = arith.constant 0 : i32
      %dma_start3A_56 = tpu.memref_slice %arg9[%add3A_19, %dma_start3A] : memref<10240x128xf32, #tpu.memory_space<vmem_shared>> -> memref<128x128xf32, #tpu.memory_space<vmem_shared>>
      %dma_start3A_57 = arith.constant 0 : i32
      %dma_start3A_58 = tpu.memref_slice %arg9[%add3A_19, %dma_start3A_57] : memref<10240x128xf32, #tpu.memory_space<vmem_shared>> -> memref<128x128xf32, #tpu.memory_space<vmem_shared>>
      tpu.enqueue_dma source(%arg8 : memref<128x128xf32, #tpu.memory_space<vmem>>) target(%dma_start3A_58 : memref<128x128xf32, #tpu.memory_space<vmem_shared>>) target_semaphore(%run_scoped3A : memref<!tpu.dma_semaphore, #tpu.memory_space<semaphore_mem>>)
      %dma_wait3A = arith.constant 0 : i32
      %dma_wait3A_59 = tpu.memref_slice %arg9[%add3A_19, %dma_wait3A] : memref<10240x128xf32, #tpu.memory_space<vmem_shared>> -> memref<128x128xf32, #tpu.memory_space<vmem_shared>>
      %dma_wait3A_60 = arith.constant 0 : i32
      %dma_wait3A_61 = tpu.memref_slice %arg9[%add3A_19, %dma_wait3A_60] : memref<10240x128xf32, #tpu.memory_space<vmem_shared>> -> memref<128x128xf32, #tpu.memory_space<vmem_shared>>
      tpu.wait_dma2 semaphore(%run_scoped3A : memref<!tpu.dma_semaphore, #tpu.memory_space<semaphore_mem>>) src(%arg8 : memref<128x128xf32, #tpu.memory_space<vmem>>) dst(%dma_wait3A_61 : memref<128x128xf32, #tpu.memory_space<vmem_shared>>)
      tpu.yield
    }) : () -> ()
    %mul3A_20 = arith.constant 640 : i32
    %mul3A_21 = arith.muli %arg1, %mul3A_20 : i32
    %add3A_22 = arith.constant 384 : i32
    %add3A_23 = arith.addi %mul3A_21, %add3A_22 : i32
    "tpu.region"() ({
      %run_scoped3A = tpu.sem_alloc : memref<!tpu.dma_semaphore, #tpu.memory_space<semaphore_mem>>
      %dma_start3A = arith.constant 0 : i32
      %dma_start3A_56 = tpu.memref_slice %arg9[%add3A_23, %dma_start3A] : memref<10240x128xf32, #tpu.memory_space<vmem_shared>> -> memref<128x128xf32, #tpu.memory_space<vmem_shared>>
      %dma_start3A_57 = arith.constant 0 : i32
      %dma_start3A_58 = tpu.memref_slice %arg9[%add3A_23, %dma_start3A_57] : memref<10240x128xf32, #tpu.memory_space<vmem_shared>> -> memref<128x128xf32, #tpu.memory_space<vmem_shared>>
      tpu.enqueue_dma source(%arg8 : memref<128x128xf32, #tpu.memory_space<vmem>>) target(%dma_start3A_58 : memref<128x128xf32, #tpu.memory_space<vmem_shared>>) target_semaphore(%run_scoped3A : memref<!tpu.dma_semaphore, #tpu.memory_space<semaphore_mem>>)
      %dma_wait3A = arith.constant 0 : i32
      %dma_wait3A_59 = tpu.memref_slice %arg9[%add3A_23, %dma_wait3A] : memref<10240x128xf32, #tpu.memory_space<vmem_shared>> -> memref<128x128xf32, #tpu.memory_space<vmem_shared>>
      %dma_wait3A_60 = arith.constant 0 : i32
      %dma_wait3A_61 = tpu.memref_slice %arg9[%add3A_23, %dma_wait3A_60] : memref<10240x128xf32, #tpu.memory_space<vmem_shared>> -> memref<128x128xf32, #tpu.memory_space<vmem_shared>>
      tpu.wait_dma2 semaphore(%run_scoped3A : memref<!tpu.dma_semaphore, #tpu.memory_space<semaphore_mem>>) src(%arg8 : memref<128x128xf32, #tpu.memory_space<vmem>>) dst(%dma_wait3A_61 : memref<128x128xf32, #tpu.memory_space<vmem_shared>>)
      tpu.yield
    }) : () -> ()
    %mul3A_24 = arith.constant 640 : i32
    %mul3A_25 = arith.muli %arg1, %mul3A_24 : i32
    %add3A_26 = arith.constant 512 : i32
    %add3A_27 = arith.addi %mul3A_25, %add3A_26 : i32
    "tpu.region"() ({
      %run_scoped3A = tpu.sem_alloc : memref<!tpu.dma_semaphore, #tpu.memory_space<semaphore_mem>>
      %dma_start3A = arith.constant 0 : i32
      %dma_start3A_56 = tpu.memref_slice %arg9[%add3A_27, %dma_start3A] : memref<10240x128xf32, #tpu.memory_space<vmem_shared>> -> memref<128x128xf32, #tpu.memory_space<vmem_shared>>
      %dma_start3A_57 = arith.constant 0 : i32
      %dma_start3A_58 = tpu.memref_slice %arg9[%add3A_27, %dma_start3A_57] : memref<10240x128xf32, #tpu.memory_space<vmem_shared>> -> memref<128x128xf32, #tpu.memory_space<vmem_shared>>
      tpu.enqueue_dma source(%arg8 : memref<128x128xf32, #tpu.memory_space<vmem>>) target(%dma_start3A_58 : memref<128x128xf32, #tpu.memory_space<vmem_shared>>) target_semaphore(%run_scoped3A : memref<!tpu.dma_semaphore, #tpu.memory_space<semaphore_mem>>)
      %dma_wait3A = arith.constant 0 : i32
      %dma_wait3A_59 = tpu.memref_slice %arg9[%add3A_27, %dma_wait3A] : memref<10240x128xf32, #tpu.memory_space<vmem_shared>> -> memref<128x128xf32, #tpu.memory_space<vmem_shared>>
      %dma_wait3A_60 = arith.constant 0 : i32
      %dma_wait3A_61 = tpu.memref_slice %arg9[%add3A_27, %dma_wait3A_60] : memref<10240x128xf32, #tpu.memory_space<vmem_shared>> -> memref<128x128xf32, #tpu.memory_space<vmem_shared>>
      tpu.wait_dma2 semaphore(%run_scoped3A : memref<!tpu.dma_semaphore, #tpu.memory_space<semaphore_mem>>) src(%arg8 : memref<128x128xf32, #tpu.memory_space<vmem>>) dst(%dma_wait3A_61 : memref<128x128xf32, #tpu.memory_space<vmem_shared>>)
      tpu.yield
    }) : () -> ()
    %barrier3A = arith.constant 0 : index
    tpu.barrier barrier_id(%barrier3A)
    %scan3A_28 = arith.constant 0 : i32
    %scan3A_29 = arith.constant 0 : i32
    %scan3A_30 = arith.constant 79 : i32
    %scan3A_31 = arith.addi %scan3A_29, %scan3A_30 : i32
    %scan3A_32 = arith.constant 1 : i32
    %scan3A_33 = scf.for %scan3A_56 = %scan3A_29 to %scan3A_31 step %scan3A_32 iter_args(%scan3A_57 = %scan3A_28) -> (i32)  : i32 {
      "tpu.region"() ({
        %run_scoped3A = tpu.sem_alloc : memref<!tpu.dma_semaphore, #tpu.memory_space<semaphore_mem>>
        %dma_start3A_63 = arith.constant 0 : i32
        %dma_start3A_64 = tpu.memref_slice %arg3[%add3A, %scan3A_56, %dma_start3A_63] : memref<32x79x128xi32, #tpu.memory_space<hbm>> -> memref<1x1x128xi32, #tpu.memory_space<hbm>>
        %dma_start3A_65 = tpu.memref_squeeze %dma_start3A_64 : memref<1x1x128xi32, #tpu.memory_space<hbm>> -> memref<128xi32, #tpu.memory_space<hbm>>
        %dma_start3A_66 = arith.constant 0 : i32
        %dma_start3A_67 = tpu.memref_slice %arg3[%add3A, %scan3A_56, %dma_start3A_66] : memref<32x79x128xi32, #tpu.memory_space<hbm>> -> memref<1x1x128xi32, #tpu.memory_space<hbm>>
        %dma_start3A_68 = tpu.memref_squeeze %dma_start3A_67 : memref<1x1x128xi32, #tpu.memory_space<hbm>> -> memref<128xi32, #tpu.memory_space<hbm>>
        tpu.enqueue_dma source(%dma_start3A_68 : memref<128xi32, #tpu.memory_space<hbm>>) target(%arg6 : memref<128xi32, #tpu.memory_space<vmem>>) target_semaphore(%run_scoped3A : memref<!tpu.dma_semaphore, #tpu.memory_space<semaphore_mem>>)
        %dma_wait3A_69 = arith.constant 0 : i32
        %dma_wait3A_70 = tpu.memref_slice %arg3[%add3A, %scan3A_56, %dma_wait3A_69] : memref<32x79x128xi32, #tpu.memory_space<hbm>> -> memref<1x1x128xi32, #tpu.memory_space<hbm>>
        %dma_wait3A_71 = tpu.memref_squeeze %dma_wait3A_70 : memref<1x1x128xi32, #tpu.memory_space<hbm>> -> memref<128xi32, #tpu.memory_space<hbm>>
        %dma_wait3A_72 = arith.constant 0 : i32
        %dma_wait3A_73 = tpu.memref_slice %arg3[%add3A, %scan3A_56, %dma_wait3A_72] : memref<32x79x128xi32, #tpu.memory_space<hbm>> -> memref<1x1x128xi32, #tpu.memory_space<hbm>>
        %dma_wait3A_74 = tpu.memref_squeeze %dma_wait3A_73 : memref<1x1x128xi32, #tpu.memory_space<hbm>> -> memref<128xi32, #tpu.memory_space<hbm>>
        tpu.wait_dma2 semaphore(%run_scoped3A : memref<!tpu.dma_semaphore, #tpu.memory_space<semaphore_mem>>) src(%dma_wait3A_74 : memref<128xi32, #tpu.memory_space<hbm>>) dst(%arg6 : memref<128xi32, #tpu.memory_space<vmem>>)
        tpu.yield
      }) : () -> ()
      "tpu.region"() ({
        %run_scoped3A = tpu.sem_alloc : memref<!tpu.dma_semaphore, #tpu.memory_space<semaphore_mem>>
        %dma_start3A_63 = arith.constant 0 : i32
        %dma_start3A_64 = tpu.memref_slice %arg4[%add3A, %scan3A_56, %dma_start3A_63] : memref<32x79x128xi32, #tpu.memory_space<hbm>> -> memref<1x1x128xi32, #tpu.memory_space<hbm>>
        %dma_start3A_65 = tpu.memref_squeeze %dma_start3A_64 : memref<1x1x128xi32, #tpu.memory_space<hbm>> -> memref<128xi32, #tpu.memory_space<hbm>>
        %dma_start3A_66 = arith.constant 0 : i32
        %dma_start3A_67 = tpu.memref_slice %arg4[%add3A, %scan3A_56, %dma_start3A_66] : memref<32x79x128xi32, #tpu.memory_space<hbm>> -> memref<1x1x128xi32, #tpu.memory_space<hbm>>
        %dma_start3A_68 = tpu.memref_squeeze %dma_start3A_67 : memref<1x1x128xi32, #tpu.memory_space<hbm>> -> memref<128xi32, #tpu.memory_space<hbm>>
        tpu.enqueue_dma source(%dma_start3A_68 : memref<128xi32, #tpu.memory_space<hbm>>) target(%arg7 : memref<128xi32, #tpu.memory_space<vmem>>) target_semaphore(%run_scoped3A : memref<!tpu.dma_semaphore, #tpu.memory_space<semaphore_mem>>)
        %dma_wait3A_69 = arith.constant 0 : i32
        %dma_wait3A_70 = tpu.memref_slice %arg4[%add3A, %scan3A_56, %dma_wait3A_69] : memref<32x79x128xi32, #tpu.memory_space<hbm>> -> memref<1x1x128xi32, #tpu.memory_space<hbm>>
        %dma_wait3A_71 = tpu.memref_squeeze %dma_wait3A_70 : memref<1x1x128xi32, #tpu.memory_space<hbm>> -> memref<128xi32, #tpu.memory_space<hbm>>
        %dma_wait3A_72 = arith.constant 0 : i32
        %dma_wait3A_73 = tpu.memref_slice %arg4[%add3A, %scan3A_56, %dma_wait3A_72] : memref<32x79x128xi32, #tpu.memory_space<hbm>> -> memref<1x1x128xi32, #tpu.memory_space<hbm>>
        %dma_wait3A_74 = tpu.memref_squeeze %dma_wait3A_73 : memref<1x1x128xi32, #tpu.memory_space<hbm>> -> memref<128xi32, #tpu.memory_space<hbm>>
        tpu.wait_dma2 semaphore(%run_scoped3A : memref<!tpu.dma_semaphore, #tpu.memory_space<semaphore_mem>>) src(%dma_wait3A_74 : memref<128xi32, #tpu.memory_space<hbm>>) dst(%arg7 : memref<128xi32, #tpu.memory_space<vmem>>)
        tpu.yield
      }) : () -> ()
      %dma_start3A = arith.constant 0 : i32
      %dma_start3A_58 = arith.constant 0 : i32
      %dma_start3A_59 = tpu.memref_slice %arg2[%dma_start3A, %dma_start3A_58] : memref<10000x128xf32, #tpu.memory_space<hbm>> -> memref<10000x128xf32, #tpu.memory_space<hbm>>
      tpu.enqueue_indirect_dma source(%dma_start3A_59 : memref<10000x128xf32, #tpu.memory_space<hbm>>) target(%arg8 : memref<128x128xf32, #tpu.memory_space<vmem>>) offsets(%arg6 : memref<128xi32, #tpu.memory_space<vmem>>) semaphore(%arg10 : memref<!tpu.dma_semaphore, #tpu.memory_space<semaphore_mem>>)
      %dma_wait3A = arith.constant 0 : i32
      %dma_wait3A_60 = arith.constant 0 : i32
      %dma_wait3A_61 = tpu.memref_slice %arg2[%dma_wait3A, %dma_wait3A_60] : memref<10000x128xf32, #tpu.memory_space<hbm>> -> memref<10000x128xf32, #tpu.memory_space<hbm>>
      tpu.wait_indirect_dma semaphore(%arg10 : memref<!tpu.dma_semaphore, #tpu.memory_space<semaphore_mem>>) src(%dma_wait3A_61 : memref<10000x128xf32, #tpu.memory_space<hbm>>) dst(%arg8 : memref<128x128xf32, #tpu.memory_space<vmem>>)
      "tpu.region"() ({
        %run_scoped3A = tpu.sem_alloc : memref<!tpu.dma_semaphore, #tpu.memory_space<semaphore_mem>>
        %dma_start3A_63 = arith.constant 0 : i32
        %dma_start3A_64 = arith.constant 0 : i32
        %dma_start3A_65 = tpu.memref_slice %arg9[%dma_start3A_63, %dma_start3A_64] : memref<10240x128xf32, #tpu.memory_space<vmem_shared>> -> memref<10240x128xf32, #tpu.memory_space<vmem_shared>>
        tpu.enqueue_indirect_dma source(%arg8 : memref<128x128xf32, #tpu.memory_space<vmem>>) target(%dma_start3A_65 : memref<10240x128xf32, #tpu.memory_space<vmem_shared>>) offsets(%arg7 : memref<128xi32, #tpu.memory_space<vmem>>) semaphore(%run_scoped3A : memref<!tpu.dma_semaphore, #tpu.memory_space<semaphore_mem>>) {add = true}
        %dma_wait3A_66 = arith.constant 0 : i32
        %dma_wait3A_67 = arith.constant 0 : i32
        %dma_wait3A_68 = tpu.memref_slice %arg9[%dma_wait3A_66, %dma_wait3A_67] : memref<10240x128xf32, #tpu.memory_space<vmem_shared>> -> memref<10240x128xf32, #tpu.memory_space<vmem_shared>>
        tpu.wait_indirect_dma semaphore(%run_scoped3A : memref<!tpu.dma_semaphore, #tpu.memory_space<semaphore_mem>>) src(%arg8 : memref<128x128xf32, #tpu.memory_space<vmem>>) dst(%dma_wait3A_68 : memref<10240x128xf32, #tpu.memory_space<vmem_shared>>)
        tpu.yield
      }) : () -> ()
      %scan3A_62 = arith.constant 0 : i32
      scf.yield %scan3A_62 : i32
    }
    %scan3A_34 = arith.constant 79 : i32
    %barrier3A_35 = arith.constant 0 : index
    tpu.barrier barrier_id(%barrier3A_35)
    %mul3A_36 = arith.constant 640 : i32
    %mul3A_37 = arith.muli %arg1, %mul3A_36 : i32
    %add3A_38 = arith.constant 0 : i32
    %add3A_39 = arith.addi %mul3A_37, %add3A_38 : i32
    "tpu.region"() ({
      %run_scoped3A = tpu.sem_alloc : memref<!tpu.dma_semaphore, #tpu.memory_space<semaphore_mem>>
      %dma_start3A = arith.constant 0 : i32
      %dma_start3A_56 = tpu.memref_slice %arg9[%add3A_39, %dma_start3A] : memref<10240x128xf32, #tpu.memory_space<vmem_shared>> -> memref<128x128xf32, #tpu.memory_space<vmem_shared>>
      %dma_start3A_57 = arith.constant 0 : i32
      %dma_start3A_58 = tpu.memref_slice %arg9[%add3A_39, %dma_start3A_57] : memref<10240x128xf32, #tpu.memory_space<vmem_shared>> -> memref<128x128xf32, #tpu.memory_space<vmem_shared>>
      tpu.enqueue_dma source(%dma_start3A_58 : memref<128x128xf32, #tpu.memory_space<vmem_shared>>) target(%arg8 : memref<128x128xf32, #tpu.memory_space<vmem>>) target_semaphore(%run_scoped3A : memref<!tpu.dma_semaphore, #tpu.memory_space<semaphore_mem>>)
      %dma_wait3A = arith.constant 0 : i32
      %dma_wait3A_59 = tpu.memref_slice %arg9[%add3A_39, %dma_wait3A] : memref<10240x128xf32, #tpu.memory_space<vmem_shared>> -> memref<128x128xf32, #tpu.memory_space<vmem_shared>>
      %dma_wait3A_60 = arith.constant 0 : i32
      %dma_wait3A_61 = tpu.memref_slice %arg9[%add3A_39, %dma_wait3A_60] : memref<10240x128xf32, #tpu.memory_space<vmem_shared>> -> memref<128x128xf32, #tpu.memory_space<vmem_shared>>
      tpu.wait_dma2 semaphore(%run_scoped3A : memref<!tpu.dma_semaphore, #tpu.memory_space<semaphore_mem>>) src(%dma_wait3A_61 : memref<128x128xf32, #tpu.memory_space<vmem_shared>>) dst(%arg8 : memref<128x128xf32, #tpu.memory_space<vmem>>)
      tpu.yield
    }) : () -> ()
    "tpu.region"() ({
      %run_scoped3A = tpu.sem_alloc : memref<!tpu.dma_semaphore, #tpu.memory_space<semaphore_mem>>
      %dma_start3A = arith.constant 0 : i32
      %dma_start3A_56 = tpu.memref_slice %arg5[%arg0, %add3A_39, %dma_start3A] : memref<2x10240x128xf32, #tpu.memory_space<hbm>> -> memref<1x128x128xf32, #tpu.memory_space<hbm>>
      %dma_start3A_57 = tpu.memref_squeeze %dma_start3A_56 : memref<1x128x128xf32, #tpu.memory_space<hbm>> -> memref<128x128xf32, #tpu.memory_space<hbm>>
      %dma_start3A_58 = arith.constant 0 : i32
      %dma_start3A_59 = tpu.memref_slice %arg5[%arg0, %add3A_39, %dma_start3A_58] : memref<2x10240x128xf32, #tpu.memory_space<hbm>> -> memref<1x128x128xf32, #tpu.memory_space<hbm>>
      %dma_start3A_60 = tpu.memref_squeeze %dma_start3A_59 : memref<1x128x128xf32, #tpu.memory_space<hbm>> -> memref<128x128xf32, #tpu.memory_space<hbm>>
      tpu.enqueue_dma source(%arg8 : memref<128x128xf32, #tpu.memory_space<vmem>>) target(%dma_start3A_60 : memref<128x128xf32, #tpu.memory_space<hbm>>) target_semaphore(%run_scoped3A : memref<!tpu.dma_semaphore, #tpu.memory_space<semaphore_mem>>)
      %dma_wait3A = arith.constant 0 : i32
      %dma_wait3A_61 = tpu.memref_slice %arg5[%arg0, %add3A_39, %dma_wait3A] : memref<2x10240x128xf32, #tpu.memory_space<hbm>> -> memref<1x128x128xf32, #tpu.memory_space<hbm>>
      %dma_wait3A_62 = tpu.memref_squeeze %dma_wait3A_61 : memref<1x128x128xf32, #tpu.memory_space<hbm>> -> memref<128x128xf32, #tpu.memory_space<hbm>>
      %dma_wait3A_63 = arith.constant 0 : i32
      %dma_wait3A_64 = tpu.memref_slice %arg5[%arg0, %add3A_39, %dma_wait3A_63] : memref<2x10240x128xf32, #tpu.memory_space<hbm>> -> memref<1x128x128xf32, #tpu.memory_space<hbm>>
      %dma_wait3A_65 = tpu.memref_squeeze %dma_wait3A_64 : memref<1x128x128xf32, #tpu.memory_space<hbm>> -> memref<128x128xf32, #tpu.memory_space<hbm>>
      tpu.wait_dma2 semaphore(%run_scoped3A : memref<!tpu.dma_semaphore, #tpu.memory_space<semaphore_mem>>) src(%arg8 : memref<128x128xf32, #tpu.memory_space<vmem>>) dst(%dma_wait3A_65 : memref<128x128xf32, #tpu.memory_space<hbm>>)
      tpu.yield
    }) : () -> ()
    %mul3A_40 = arith.constant 640 : i32
    %mul3A_41 = arith.muli %arg1, %mul3A_40 : i32
    %add3A_42 = arith.constant 128 : i32
    %add3A_43 = arith.addi %mul3A_41, %add3A_42 : i32
    "tpu.region"() ({
      %run_scoped3A = tpu.sem_alloc : memref<!tpu.dma_semaphore, #tpu.memory_space<semaphore_mem>>
      %dma_start3A = arith.constant 0 : i32
      %dma_start3A_56 = tpu.memref_slice %arg9[%add3A_43, %dma_start3A] : memref<10240x128xf32, #tpu.memory_space<vmem_shared>> -> memref<128x128xf32, #tpu.memory_space<vmem_shared>>
      %dma_start3A_57 = arith.constant 0 : i32
      %dma_start3A_58 = tpu.memref_slice %arg9[%add3A_43, %dma_start3A_57] : memref<10240x128xf32, #tpu.memory_space<vmem_shared>> -> memref<128x128xf32, #tpu.memory_space<vmem_shared>>
      tpu.enqueue_dma source(%dma_start3A_58 : memref<128x128xf32, #tpu.memory_space<vmem_shared>>) target(%arg8 : memref<128x128xf32, #tpu.memory_space<vmem>>) target_semaphore(%run_scoped3A : memref<!tpu.dma_semaphore, #tpu.memory_space<semaphore_mem>>)
      %dma_wait3A = arith.constant 0 : i32
      %dma_wait3A_59 = tpu.memref_slice %arg9[%add3A_43, %dma_wait3A] : memref<10240x128xf32, #tpu.memory_space<vmem_shared>> -> memref<128x128xf32, #tpu.memory_space<vmem_shared>>
      %dma_wait3A_60 = arith.constant 0 : i32
      %dma_wait3A_61 = tpu.memref_slice %arg9[%add3A_43, %dma_wait3A_60] : memref<10240x128xf32, #tpu.memory_space<vmem_shared>> -> memref<128x128xf32, #tpu.memory_space<vmem_shared>>
      tpu.wait_dma2 semaphore(%run_scoped3A : memref<!tpu.dma_semaphore, #tpu.memory_space<semaphore_mem>>) src(%dma_wait3A_61 : memref<128x128xf32, #tpu.memory_space<vmem_shared>>) dst(%arg8 : memref<128x128xf32, #tpu.memory_space<vmem>>)
      tpu.yield
    }) : () -> ()
    "tpu.region"() ({
      %run_scoped3A = tpu.sem_alloc : memref<!tpu.dma_semaphore, #tpu.memory_space<semaphore_mem>>
      %dma_start3A = arith.constant 0 : i32
      %dma_start3A_56 = tpu.memref_slice %arg5[%arg0, %add3A_43, %dma_start3A] : memref<2x10240x128xf32, #tpu.memory_space<hbm>> -> memref<1x128x128xf32, #tpu.memory_space<hbm>>
      %dma_start3A_57 = tpu.memref_squeeze %dma_start3A_56 : memref<1x128x128xf32, #tpu.memory_space<hbm>> -> memref<128x128xf32, #tpu.memory_space<hbm>>
      %dma_start3A_58 = arith.constant 0 : i32
      %dma_start3A_59 = tpu.memref_slice %arg5[%arg0, %add3A_43, %dma_start3A_58] : memref<2x10240x128xf32, #tpu.memory_space<hbm>> -> memref<1x128x128xf32, #tpu.memory_space<hbm>>
      %dma_start3A_60 = tpu.memref_squeeze %dma_start3A_59 : memref<1x128x128xf32, #tpu.memory_space<hbm>> -> memref<128x128xf32, #tpu.memory_space<hbm>>
      tpu.enqueue_dma source(%arg8 : memref<128x128xf32, #tpu.memory_space<vmem>>) target(%dma_start3A_60 : memref<128x128xf32, #tpu.memory_space<hbm>>) target_semaphore(%run_scoped3A : memref<!tpu.dma_semaphore, #tpu.memory_space<semaphore_mem>>)
      %dma_wait3A = arith.constant 0 : i32
      %dma_wait3A_61 = tpu.memref_slice %arg5[%arg0, %add3A_43, %dma_wait3A] : memref<2x10240x128xf32, #tpu.memory_space<hbm>> -> memref<1x128x128xf32, #tpu.memory_space<hbm>>
      %dma_wait3A_62 = tpu.memref_squeeze %dma_wait3A_61 : memref<1x128x128xf32, #tpu.memory_space<hbm>> -> memref<128x128xf32, #tpu.memory_space<hbm>>
      %dma_wait3A_63 = arith.constant 0 : i32
      %dma_wait3A_64 = tpu.memref_slice %arg5[%arg0, %add3A_43, %dma_wait3A_63] : memref<2x10240x128xf32, #tpu.memory_space<hbm>> -> memref<1x128x128xf32, #tpu.memory_space<hbm>>
      %dma_wait3A_65 = tpu.memref_squeeze %dma_wait3A_64 : memref<1x128x128xf32, #tpu.memory_space<hbm>> -> memref<128x128xf32, #tpu.memory_space<hbm>>
      tpu.wait_dma2 semaphore(%run_scoped3A : memref<!tpu.dma_semaphore, #tpu.memory_space<semaphore_mem>>) src(%arg8 : memref<128x128xf32, #tpu.memory_space<vmem>>) dst(%dma_wait3A_65 : memref<128x128xf32, #tpu.memory_space<hbm>>)
      tpu.yield
    }) : () -> ()
    %mul3A_44 = arith.constant 640 : i32
    %mul3A_45 = arith.muli %arg1, %mul3A_44 : i32
    %add3A_46 = arith.constant 256 : i32
    %add3A_47 = arith.addi %mul3A_45, %add3A_46 : i32
    "tpu.region"() ({
      %run_scoped3A = tpu.sem_alloc : memref<!tpu.dma_semaphore, #tpu.memory_space<semaphore_mem>>
      %dma_start3A = arith.constant 0 : i32
      %dma_start3A_56 = tpu.memref_slice %arg9[%add3A_47, %dma_start3A] : memref<10240x128xf32, #tpu.memory_space<vmem_shared>> -> memref<128x128xf32, #tpu.memory_space<vmem_shared>>
      %dma_start3A_57 = arith.constant 0 : i32
      %dma_start3A_58 = tpu.memref_slice %arg9[%add3A_47, %dma_start3A_57] : memref<10240x128xf32, #tpu.memory_space<vmem_shared>> -> memref<128x128xf32, #tpu.memory_space<vmem_shared>>
      tpu.enqueue_dma source(%dma_start3A_58 : memref<128x128xf32, #tpu.memory_space<vmem_shared>>) target(%arg8 : memref<128x128xf32, #tpu.memory_space<vmem>>) target_semaphore(%run_scoped3A : memref<!tpu.dma_semaphore, #tpu.memory_space<semaphore_mem>>)
      %dma_wait3A = arith.constant 0 : i32
      %dma_wait3A_59 = tpu.memref_slice %arg9[%add3A_47, %dma_wait3A] : memref<10240x128xf32, #tpu.memory_space<vmem_shared>> -> memref<128x128xf32, #tpu.memory_space<vmem_shared>>
      %dma_wait3A_60 = arith.constant 0 : i32
      %dma_wait3A_61 = tpu.memref_slice %arg9[%add3A_47, %dma_wait3A_60] : memref<10240x128xf32, #tpu.memory_space<vmem_shared>> -> memref<128x128xf32, #tpu.memory_space<vmem_shared>>
      tpu.wait_dma2 semaphore(%run_scoped3A : memref<!tpu.dma_semaphore, #tpu.memory_space<semaphore_mem>>) src(%dma_wait3A_61 : memref<128x128xf32, #tpu.memory_space<vmem_shared>>) dst(%arg8 : memref<128x128xf32, #tpu.memory_space<vmem>>)
      tpu.yield
    }) : () -> ()
    "tpu.region"() ({
      %run_scoped3A = tpu.sem_alloc : memref<!tpu.dma_semaphore, #tpu.memory_space<semaphore_mem>>
      %dma_start3A = arith.constant 0 : i32
      %dma_start3A_56 = tpu.memref_slice %arg5[%arg0, %add3A_47, %dma_start3A] : memref<2x10240x128xf32, #tpu.memory_space<hbm>> -> memref<1x128x128xf32, #tpu.memory_space<hbm>>
      %dma_start3A_57 = tpu.memref_squeeze %dma_start3A_56 : memref<1x128x128xf32, #tpu.memory_space<hbm>> -> memref<128x128xf32, #tpu.memory_space<hbm>>
      %dma_start3A_58 = arith.constant 0 : i32
      %dma_start3A_59 = tpu.memref_slice %arg5[%arg0, %add3A_47, %dma_start3A_58] : memref<2x10240x128xf32, #tpu.memory_space<hbm>> -> memref<1x128x128xf32, #tpu.memory_space<hbm>>
      %dma_start3A_60 = tpu.memref_squeeze %dma_start3A_59 : memref<1x128x128xf32, #tpu.memory_space<hbm>> -> memref<128x128xf32, #tpu.memory_space<hbm>>
      tpu.enqueue_dma source(%arg8 : memref<128x128xf32, #tpu.memory_space<vmem>>) target(%dma_start3A_60 : memref<128x128xf32, #tpu.memory_space<hbm>>) target_semaphore(%run_scoped3A : memref<!tpu.dma_semaphore, #tpu.memory_space<semaphore_mem>>)
      %dma_wait3A = arith.constant 0 : i32
      %dma_wait3A_61 = tpu.memref_slice %arg5[%arg0, %add3A_47, %dma_wait3A] : memref<2x10240x128xf32, #tpu.memory_space<hbm>> -> memref<1x128x128xf32, #tpu.memory_space<hbm>>
      %dma_wait3A_62 = tpu.memref_squeeze %dma_wait3A_61 : memref<1x128x128xf32, #tpu.memory_space<hbm>> -> memref<128x128xf32, #tpu.memory_space<hbm>>
      %dma_wait3A_63 = arith.constant 0 : i32
      %dma_wait3A_64 = tpu.memref_slice %arg5[%arg0, %add3A_47, %dma_wait3A_63] : memref<2x10240x128xf32, #tpu.memory_space<hbm>> -> memref<1x128x128xf32, #tpu.memory_space<hbm>>
      %dma_wait3A_65 = tpu.memref_squeeze %dma_wait3A_64 : memref<1x128x128xf32, #tpu.memory_space<hbm>> -> memref<128x128xf32, #tpu.memory_space<hbm>>
      tpu.wait_dma2 semaphore(%run_scoped3A : memref<!tpu.dma_semaphore, #tpu.memory_space<semaphore_mem>>) src(%arg8 : memref<128x128xf32, #tpu.memory_space<vmem>>) dst(%dma_wait3A_65 : memref<128x128xf32, #tpu.memory_space<hbm>>)
      tpu.yield
    }) : () -> ()
    %mul3A_48 = arith.constant 640 : i32
    %mul3A_49 = arith.muli %arg1, %mul3A_48 : i32
    %add3A_50 = arith.constant 384 : i32
    %add3A_51 = arith.addi %mul3A_49, %add3A_50 : i32
    "tpu.region"() ({
      %run_scoped3A = tpu.sem_alloc : memref<!tpu.dma_semaphore, #tpu.memory_space<semaphore_mem>>
      %dma_start3A = arith.constant 0 : i32
      %dma_start3A_56 = tpu.memref_slice %arg9[%add3A_51, %dma_start3A] : memref<10240x128xf32, #tpu.memory_space<vmem_shared>> -> memref<128x128xf32, #tpu.memory_space<vmem_shared>>
      %dma_start3A_57 = arith.constant 0 : i32
      %dma_start3A_58 = tpu.memref_slice %arg9[%add3A_51, %dma_start3A_57] : memref<10240x128xf32, #tpu.memory_space<vmem_shared>> -> memref<128x128xf32, #tpu.memory_space<vmem_shared>>
      tpu.enqueue_dma source(%dma_start3A_58 : memref<128x128xf32, #tpu.memory_space<vmem_shared>>) target(%arg8 : memref<128x128xf32, #tpu.memory_space<vmem>>) target_semaphore(%run_scoped3A : memref<!tpu.dma_semaphore, #tpu.memory_space<semaphore_mem>>)
      %dma_wait3A = arith.constant 0 : i32
      %dma_wait3A_59 = tpu.memref_slice %arg9[%add3A_51, %dma_wait3A] : memref<10240x128xf32, #tpu.memory_space<vmem_shared>> -> memref<128x128xf32, #tpu.memory_space<vmem_shared>>
      %dma_wait3A_60 = arith.constant 0 : i32
      %dma_wait3A_61 = tpu.memref_slice %arg9[%add3A_51, %dma_wait3A_60] : memref<10240x128xf32, #tpu.memory_space<vmem_shared>> -> memref<128x128xf32, #tpu.memory_space<vmem_shared>>
      tpu.wait_dma2 semaphore(%run_scoped3A : memref<!tpu.dma_semaphore, #tpu.memory_space<semaphore_mem>>) src(%dma_wait3A_61 : memref<128x128xf32, #tpu.memory_space<vmem_shared>>) dst(%arg8 : memref<128x128xf32, #tpu.memory_space<vmem>>)
      tpu.yield
    }) : () -> ()
    "tpu.region"() ({
      %run_scoped3A = tpu.sem_alloc : memref<!tpu.dma_semaphore, #tpu.memory_space<semaphore_mem>>
      %dma_start3A = arith.constant 0 : i32
      %dma_start3A_56 = tpu.memref_slice %arg5[%arg0, %add3A_51, %dma_start3A] : memref<2x10240x128xf32, #tpu.memory_space<hbm>> -> memref<1x128x128xf32, #tpu.memory_space<hbm>>
      %dma_start3A_57 = tpu.memref_squeeze %dma_start3A_56 : memref<1x128x128xf32, #tpu.memory_space<hbm>> -> memref<128x128xf32, #tpu.memory_space<hbm>>
      %dma_start3A_58 = arith.constant 0 : i32
      %dma_start3A_59 = tpu.memref_slice %arg5[%arg0, %add3A_51, %dma_start3A_58] : memref<2x10240x128xf32, #tpu.memory_space<hbm>> -> memref<1x128x128xf32, #tpu.memory_space<hbm>>
      %dma_start3A_60 = tpu.memref_squeeze %dma_start3A_59 : memref<1x128x128xf32, #tpu.memory_space<hbm>> -> memref<128x128xf32, #tpu.memory_space<hbm>>
      tpu.enqueue_dma source(%arg8 : memref<128x128xf32, #tpu.memory_space<vmem>>) target(%dma_start3A_60 : memref<128x128xf32, #tpu.memory_space<hbm>>) target_semaphore(%run_scoped3A : memref<!tpu.dma_semaphore, #tpu.memory_space<semaphore_mem>>)
      %dma_wait3A = arith.constant 0 : i32
      %dma_wait3A_61 = tpu.memref_slice %arg5[%arg0, %add3A_51, %dma_wait3A] : memref<2x10240x128xf32, #tpu.memory_space<hbm>> -> memref<1x128x128xf32, #tpu.memory_space<hbm>>
      %dma_wait3A_62 = tpu.memref_squeeze %dma_wait3A_61 : memref<1x128x128xf32, #tpu.memory_space<hbm>> -> memref<128x128xf32, #tpu.memory_space<hbm>>
      %dma_wait3A_63 = arith.constant 0 : i32
      %dma_wait3A_64 = tpu.memref_slice %arg5[%arg0, %add3A_51, %dma_wait3A_63] : memref<2x10240x128xf32, #tpu.memory_space<hbm>> -> memref<1x128x128xf32, #tpu.memory_space<hbm>>
      %dma_wait3A_65 = tpu.memref_squeeze %dma_wait3A_64 : memref<1x128x128xf32, #tpu.memory_space<hbm>> -> memref<128x128xf32, #tpu.memory_space<hbm>>
      tpu.wait_dma2 semaphore(%run_scoped3A : memref<!tpu.dma_semaphore, #tpu.memory_space<semaphore_mem>>) src(%arg8 : memref<128x128xf32, #tpu.memory_space<vmem>>) dst(%dma_wait3A_65 : memref<128x128xf32, #tpu.memory_space<hbm>>)
      tpu.yield
    }) : () -> ()
    %mul3A_52 = arith.constant 640 : i32
    %mul3A_53 = arith.muli %arg1, %mul3A_52 : i32
    %add3A_54 = arith.constant 512 : i32
    %add3A_55 = arith.addi %mul3A_53, %add3A_54 : i32
    "tpu.region"() ({
      %run_scoped3A = tpu.sem_alloc : memref<!tpu.dma_semaphore, #tpu.memory_space<semaphore_mem>>
      %dma_start3A = arith.constant 0 : i32
      %dma_start3A_56 = tpu.memref_slice %arg9[%add3A_55, %dma_start3A] : memref<10240x128xf32, #tpu.memory_space<vmem_shared>> -> memref<128x128xf32, #tpu.memory_space<vmem_shared>>
      %dma_start3A_57 = arith.constant 0 : i32
      %dma_start3A_58 = tpu.memref_slice %arg9[%add3A_55, %dma_start3A_57] : memref<10240x128xf32, #tpu.memory_space<vmem_shared>> -> memref<128x128xf32, #tpu.memory_space<vmem_shared>>
      tpu.enqueue_dma source(%dma_start3A_58 : memref<128x128xf32, #tpu.memory_space<vmem_shared>>) target(%arg8 : memref<128x128xf32, #tpu.memory_space<vmem>>) target_semaphore(%run_scoped3A : memref<!tpu.dma_semaphore, #tpu.memory_space<semaphore_mem>>)
      %dma_wait3A = arith.constant 0 : i32
      %dma_wait3A_59 = tpu.memref_slice %arg9[%add3A_55, %dma_wait3A] : memref<10240x128xf32, #tpu.memory_space<vmem_shared>> -> memref<128x128xf32, #tpu.memory_space<vmem_shared>>
      %dma_wait3A_60 = arith.constant 0 : i32
      %dma_wait3A_61 = tpu.memref_slice %arg9[%add3A_55, %dma_wait3A_60] : memref<10240x128xf32, #tpu.memory_space<vmem_shared>> -> memref<128x128xf32, #tpu.memory_space<vmem_shared>>
      tpu.wait_dma2 semaphore(%run_scoped3A : memref<!tpu.dma_semaphore, #tpu.memory_space<semaphore_mem>>) src(%dma_wait3A_61 : memref<128x128xf32, #tpu.memory_space<vmem_shared>>) dst(%arg8 : memref<128x128xf32, #tpu.memory_space<vmem>>)
      tpu.yield
    }) : () -> ()
    "tpu.region"() ({
      %run_scoped3A = tpu.sem_alloc : memref<!tpu.dma_semaphore, #tpu.memory_space<semaphore_mem>>
      %dma_start3A = arith.constant 0 : i32
      %dma_start3A_56 = tpu.memref_slice %arg5[%arg0, %add3A_55, %dma_start3A] : memref<2x10240x128xf32, #tpu.memory_space<hbm>> -> memref<1x128x128xf32, #tpu.memory_space<hbm>>
      %dma_start3A_57 = tpu.memref_squeeze %dma_start3A_56 : memref<1x128x128xf32, #tpu.memory_space<hbm>> -> memref<128x128xf32, #tpu.memory_space<hbm>>
      %dma_start3A_58 = arith.constant 0 : i32
      %dma_start3A_59 = tpu.memref_slice %arg5[%arg0, %add3A_55, %dma_start3A_58] : memref<2x10240x128xf32, #tpu.memory_space<hbm>> -> memref<1x128x128xf32, #tpu.memory_space<hbm>>
      %dma_start3A_60 = tpu.memref_squeeze %dma_start3A_59 : memref<1x128x128xf32, #tpu.memory_space<hbm>> -> memref<128x128xf32, #tpu.memory_space<hbm>>
      tpu.enqueue_dma source(%arg8 : memref<128x128xf32, #tpu.memory_space<vmem>>) target(%dma_start3A_60 : memref<128x128xf32, #tpu.memory_space<hbm>>) target_semaphore(%run_scoped3A : memref<!tpu.dma_semaphore, #tpu.memory_space<semaphore_mem>>)
      %dma_wait3A = arith.constant 0 : i32
      %dma_wait3A_61 = tpu.memref_slice %arg5[%arg0, %add3A_55, %dma_wait3A] : memref<2x10240x128xf32, #tpu.memory_space<hbm>> -> memref<1x128x128xf32, #tpu.memory_space<hbm>>
      %dma_wait3A_62 = tpu.memref_squeeze %dma_wait3A_61 : memref<1x128x128xf32, #tpu.memory_space<hbm>> -> memref<128x128xf32, #tpu.memory_space<hbm>>
      %dma_wait3A_63 = arith.constant 0 : i32
      %dma_wait3A_64 = tpu.memref_slice %arg5[%arg0, %add3A_55, %dma_wait3A_63] : memref<2x10240x128xf32, #tpu.memory_space<hbm>> -> memref<1x128x128xf32, #tpu.memory_space<hbm>>
      %dma_wait3A_65 = tpu.memref_squeeze %dma_wait3A_64 : memref<1x128x128xf32, #tpu.memory_space<hbm>> -> memref<128x128xf32, #tpu.memory_space<hbm>>
      tpu.wait_dma2 semaphore(%run_scoped3A : memref<!tpu.dma_semaphore, #tpu.memory_space<semaphore_mem>>) src(%arg8 : memref<128x128xf32, #tpu.memory_space<vmem>>) dst(%dma_wait3A_65 : memref<128x128xf32, #tpu.memory_space<hbm>>)
      tpu.yield
    }) : () -> ()
    return
  }
}

#map = affine_map<(d0, d1) -> (0, 0, 0)>
module attributes {stable_mosaic.version = 14 : i64} {
  func.func @deg(%arg0: i32, %arg1: i32, %arg2: memref<32x80x128xi32, #tpu.memory_space<hbm>>, %arg3: memref<2x10240x128xf32, #tpu.memory_space<hbm>>, %arg4: memref<8x128xi32, #tpu.memory_space<vmem>>, %arg5: memref<128x128xf32, #tpu.memory_space<vmem>>, %arg6: memref<10240x128xf32, #tpu.memory_space<vmem_shared>>, %arg7: memref<!tpu.dma_semaphore, #tpu.memory_space<semaphore_mem>>) attributes {dimension_semantics = [#tpu.dimension_semantics<core_parallel>, #tpu.dimension_semantics<subcore_parallel>], iteration_bounds = array<i64: 2, 16>, scalar_prefetch = 0 : i64, scratch_operands = 4 : i64, tpu.core_type = #tpu.core_type<sc_vector_subcore>, window_params = [{transform_indices = #map}, {transform_indices = #map}]} {
    %mul3A = arith.constant 16 : i32
    %mul3A_0 = arith.muli %arg0, %mul3A : i32
    %add3A = arith.addi %mul3A_0, %arg1 : i32
    %broadcast_in_dim3A = arith.constant 0.000000e+00 : f32
    %broadcast_in_dim3A_1 = vector.broadcast %broadcast_in_dim3A : f32 to vector<16xf32>
    %iota3A = tpu.iota {dimensions = array<i32: 0>} : vector<16xi32>
    %eq3A = arith.constant 0 : i32
    %eq3A_2 = vector.broadcast %eq3A : i32 to vector<16xi32>
    %eq3A_3 = arith.cmpi eq, %iota3A, %eq3A_2 : vector<16xi32>
    %jit3A = arith.constant 1.000000e+00 : f32
    %jit3A_4 = arith.constant 0.000000e+00 : f32
    %broadcast_in_dim3A_5 = vector.broadcast %jit3A : f32 to vector<16xf32>
    %broadcast_in_dim3A_6 = vector.broadcast %jit3A_4 : f32 to vector<16xf32>
    %select_n3A = arith.select %eq3A_3, %broadcast_in_dim3A_5, %broadcast_in_dim3A_6 : vector<16xi1>, vector<16xf32>
    %scan3A = arith.constant 0 : i32
    %scan3A_7 = arith.constant 0 : i32
    %scan3A_8 = arith.constant 128 : i32
    %scan3A_9 = arith.addi %scan3A_7, %scan3A_8 : i32
    %scan3A_10 = arith.constant 1 : i32
    %scan3A_11 = scf.for %scan3A_68 = %scan3A_7 to %scan3A_9 step %scan3A_10 iter_args(%scan3A_69 = %scan3A) -> (i32)  : i32 {
      %swap3A = arith.index_cast %scan3A_68 : i32 to index
      %swap3A_70 = arith.constant 0 : index
      %swap3A_71 = tpu.vector_load %arg5[%swap3A, %swap3A_70] {strides = array<i32>} : memref<128x128xf32, #tpu.memory_space<vmem>>, vector<1x16xf32>,
      %swap3A_72 = vector.shape_cast %swap3A_71 : vector<1x16xf32> to vector<16xf32>
      %swap3A_73 = vector.shape_cast %broadcast_in_dim3A_1 : vector<16xf32> to vector<1x16xf32>
      tpu.vector_store %arg5[%swap3A, %swap3A_70], %swap3A_73 {strides = array<i32>} : memref<128x128xf32, #tpu.memory_space<vmem>>, vector<1x16xf32>,
      %swap3A_74 = arith.index_cast %scan3A_68 : i32 to index
      %swap3A_75 = arith.constant 16 : index
      %swap3A_76 = tpu.vector_load %arg5[%swap3A_74, %swap3A_75] {strides = array<i32>} : memref<128x128xf32, #tpu.memory_space<vmem>>, vector<1x16xf32>,
      %swap3A_77 = vector.shape_cast %swap3A_76 : vector<1x16xf32> to vector<16xf32>
      %swap3A_78 = vector.shape_cast %broadcast_in_dim3A_1 : vector<16xf32> to vector<1x16xf32>
      tpu.vector_store %arg5[%swap3A_74, %swap3A_75], %swap3A_78 {strides = array<i32>} : memref<128x128xf32, #tpu.memory_space<vmem>>, vector<1x16xf32>,
      %swap3A_79 = arith.index_cast %scan3A_68 : i32 to index
      %swap3A_80 = arith.constant 32 : index
      %swap3A_81 = tpu.vector_load %arg5[%swap3A_79, %swap3A_80] {strides = array<i32>} : memref<128x128xf32, #tpu.memory_space<vmem>>, vector<1x16xf32>,
      %swap3A_82 = vector.shape_cast %swap3A_81 : vector<1x16xf32> to vector<16xf32>
      %swap3A_83 = vector.shape_cast %broadcast_in_dim3A_1 : vector<16xf32> to vector<1x16xf32>
      tpu.vector_store %arg5[%swap3A_79, %swap3A_80], %swap3A_83 {strides = array<i32>} : memref<128x128xf32, #tpu.memory_space<vmem>>, vector<1x16xf32>,
      %swap3A_84 = arith.index_cast %scan3A_68 : i32 to index
      %swap3A_85 = arith.constant 48 : index
      %swap3A_86 = tpu.vector_load %arg5[%swap3A_84, %swap3A_85] {strides = array<i32>} : memref<128x128xf32, #tpu.memory_space<vmem>>, vector<1x16xf32>,
      %swap3A_87 = vector.shape_cast %swap3A_86 : vector<1x16xf32> to vector<16xf32>
      %swap3A_88 = vector.shape_cast %broadcast_in_dim3A_1 : vector<16xf32> to vector<1x16xf32>
      tpu.vector_store %arg5[%swap3A_84, %swap3A_85], %swap3A_88 {strides = array<i32>} : memref<128x128xf32, #tpu.memory_space<vmem>>, vector<1x16xf32>,
      %swap3A_89 = arith.index_cast %scan3A_68 : i32 to index
      %swap3A_90 = arith.constant 64 : index
      %swap3A_91 = tpu.vector_load %arg5[%swap3A_89, %swap3A_90] {strides = array<i32>} : memref<128x128xf32, #tpu.memory_space<vmem>>, vector<1x16xf32>,
      %swap3A_92 = vector.shape_cast %swap3A_91 : vector<1x16xf32> to vector<16xf32>
      %swap3A_93 = vector.shape_cast %broadcast_in_dim3A_1 : vector<16xf32> to vector<1x16xf32>
      tpu.vector_store %arg5[%swap3A_89, %swap3A_90], %swap3A_93 {strides = array<i32>} : memref<128x128xf32, #tpu.memory_space<vmem>>, vector<1x16xf32>,
      %swap3A_94 = arith.index_cast %scan3A_68 : i32 to index
      %swap3A_95 = arith.constant 80 : index
      %swap3A_96 = tpu.vector_load %arg5[%swap3A_94, %swap3A_95] {strides = array<i32>} : memref<128x128xf32, #tpu.memory_space<vmem>>, vector<1x16xf32>,
      %swap3A_97 = vector.shape_cast %swap3A_96 : vector<1x16xf32> to vector<16xf32>
      %swap3A_98 = vector.shape_cast %broadcast_in_dim3A_1 : vector<16xf32> to vector<1x16xf32>
      tpu.vector_store %arg5[%swap3A_94, %swap3A_95], %swap3A_98 {strides = array<i32>} : memref<128x128xf32, #tpu.memory_space<vmem>>, vector<1x16xf32>,
      %swap3A_99 = arith.index_cast %scan3A_68 : i32 to index
      %swap3A_100 = arith.constant 96 : index
      %swap3A_101 = tpu.vector_load %arg5[%swap3A_99, %swap3A_100] {strides = array<i32>} : memref<128x128xf32, #tpu.memory_space<vmem>>, vector<1x16xf32>,
      %swap3A_102 = vector.shape_cast %swap3A_101 : vector<1x16xf32> to vector<16xf32>
      %swap3A_103 = vector.shape_cast %broadcast_in_dim3A_1 : vector<16xf32> to vector<1x16xf32>
      tpu.vector_store %arg5[%swap3A_99, %swap3A_100], %swap3A_103 {strides = array<i32>} : memref<128x128xf32, #tpu.memory_space<vmem>>, vector<1x16xf32>,
      %swap3A_104 = arith.index_cast %scan3A_68 : i32 to index
      %swap3A_105 = arith.constant 112 : index
      %swap3A_106 = tpu.vector_load %arg5[%swap3A_104, %swap3A_105] {strides = array<i32>} : memref<128x128xf32, #tpu.memory_space<vmem>>, vector<1x16xf32>,
      %swap3A_107 = vector.shape_cast %swap3A_106 : vector<1x16xf32> to vector<16xf32>
      %swap3A_108 = vector.shape_cast %broadcast_in_dim3A_1 : vector<16xf32> to vector<1x16xf32>
      tpu.vector_store %arg5[%swap3A_104, %swap3A_105], %swap3A_108 {strides = array<i32>} : memref<128x128xf32, #tpu.memory_space<vmem>>, vector<1x16xf32>,
      %scan3A_109 = arith.constant 0 : i32
      scf.yield %scan3A_109 : i32
    }
    %scan3A_12 = arith.constant 128 : i32
    %mul3A_13 = arith.constant 640 : i32
    %mul3A_14 = arith.muli %arg1, %mul3A_13 : i32
    %add3A_15 = arith.constant 0 : i32
    %add3A_16 = arith.addi %mul3A_14, %add3A_15 : i32
    "tpu.region"() ({
      %run_scoped3A = tpu.sem_alloc : memref<!tpu.dma_semaphore, #tpu.memory_space<semaphore_mem>>
      %dma_start3A = arith.constant 0 : i32
      %dma_start3A_68 = tpu.memref_slice %arg6[%add3A_16, %dma_start3A] : memref<10240x128xf32, #tpu.memory_space<vmem_shared>> -> memref<128x128xf32, #tpu.memory_space<vmem_shared>>
      %dma_start3A_69 = arith.constant 0 : i32
      %dma_start3A_70 = tpu.memref_slice %arg6[%add3A_16, %dma_start3A_69] : memref<10240x128xf32, #tpu.memory_space<vmem_shared>> -> memref<128x128xf32, #tpu.memory_space<vmem_shared>>
      tpu.enqueue_dma source(%arg5 : memref<128x128xf32, #tpu.memory_space<vmem>>) target(%dma_start3A_70 : memref<128x128xf32, #tpu.memory_space<vmem_shared>>) target_semaphore(%run_scoped3A : memref<!tpu.dma_semaphore, #tpu.memory_space<semaphore_mem>>)
      %dma_wait3A = arith.constant 0 : i32
      %dma_wait3A_71 = tpu.memref_slice %arg6[%add3A_16, %dma_wait3A] : memref<10240x128xf32, #tpu.memory_space<vmem_shared>> -> memref<128x128xf32, #tpu.memory_space<vmem_shared>>
      %dma_wait3A_72 = arith.constant 0 : i32
      %dma_wait3A_73 = tpu.memref_slice %arg6[%add3A_16, %dma_wait3A_72] : memref<10240x128xf32, #tpu.memory_space<vmem_shared>> -> memref<128x128xf32, #tpu.memory_space<vmem_shared>>
      tpu.wait_dma2 semaphore(%run_scoped3A : memref<!tpu.dma_semaphore, #tpu.memory_space<semaphore_mem>>) src(%arg5 : memref<128x128xf32, #tpu.memory_space<vmem>>) dst(%dma_wait3A_73 : memref<128x128xf32, #tpu.memory_space<vmem_shared>>)
      tpu.yield
    }) : () -> ()
    %mul3A_17 = arith.constant 640 : i32
    %mul3A_18 = arith.muli %arg1, %mul3A_17 : i32
    %add3A_19 = arith.constant 128 : i32
    %add3A_20 = arith.addi %mul3A_18, %add3A_19 : i32
    "tpu.region"() ({
      %run_scoped3A = tpu.sem_alloc : memref<!tpu.dma_semaphore, #tpu.memory_space<semaphore_mem>>
      %dma_start3A = arith.constant 0 : i32
      %dma_start3A_68 = tpu.memref_slice %arg6[%add3A_20, %dma_start3A] : memref<10240x128xf32, #tpu.memory_space<vmem_shared>> -> memref<128x128xf32, #tpu.memory_space<vmem_shared>>
      %dma_start3A_69 = arith.constant 0 : i32
      %dma_start3A_70 = tpu.memref_slice %arg6[%add3A_20, %dma_start3A_69] : memref<10240x128xf32, #tpu.memory_space<vmem_shared>> -> memref<128x128xf32, #tpu.memory_space<vmem_shared>>
      tpu.enqueue_dma source(%arg5 : memref<128x128xf32, #tpu.memory_space<vmem>>) target(%dma_start3A_70 : memref<128x128xf32, #tpu.memory_space<vmem_shared>>) target_semaphore(%run_scoped3A : memref<!tpu.dma_semaphore, #tpu.memory_space<semaphore_mem>>)
      %dma_wait3A = arith.constant 0 : i32
      %dma_wait3A_71 = tpu.memref_slice %arg6[%add3A_20, %dma_wait3A] : memref<10240x128xf32, #tpu.memory_space<vmem_shared>> -> memref<128x128xf32, #tpu.memory_space<vmem_shared>>
      %dma_wait3A_72 = arith.constant 0 : i32
      %dma_wait3A_73 = tpu.memref_slice %arg6[%add3A_20, %dma_wait3A_72] : memref<10240x128xf32, #tpu.memory_space<vmem_shared>> -> memref<128x128xf32, #tpu.memory_space<vmem_shared>>
      tpu.wait_dma2 semaphore(%run_scoped3A : memref<!tpu.dma_semaphore, #tpu.memory_space<semaphore_mem>>) src(%arg5 : memref<128x128xf32, #tpu.memory_space<vmem>>) dst(%dma_wait3A_73 : memref<128x128xf32, #tpu.memory_space<vmem_shared>>)
      tpu.yield
    }) : () -> ()
    %mul3A_21 = arith.constant 640 : i32
    %mul3A_22 = arith.muli %arg1, %mul3A_21 : i32
    %add3A_23 = arith.constant 256 : i32
    %add3A_24 = arith.addi %mul3A_22, %add3A_23 : i32
    "tpu.region"() ({
      %run_scoped3A = tpu.sem_alloc : memref<!tpu.dma_semaphore, #tpu.memory_space<semaphore_mem>>
      %dma_start3A = arith.constant 0 : i32
      %dma_start3A_68 = tpu.memref_slice %arg6[%add3A_24, %dma_start3A] : memref<10240x128xf32, #tpu.memory_space<vmem_shared>> -> memref<128x128xf32, #tpu.memory_space<vmem_shared>>
      %dma_start3A_69 = arith.constant 0 : i32
      %dma_start3A_70 = tpu.memref_slice %arg6[%add3A_24, %dma_start3A_69] : memref<10240x128xf32, #tpu.memory_space<vmem_shared>> -> memref<128x128xf32, #tpu.memory_space<vmem_shared>>
      tpu.enqueue_dma source(%arg5 : memref<128x128xf32, #tpu.memory_space<vmem>>) target(%dma_start3A_70 : memref<128x128xf32, #tpu.memory_space<vmem_shared>>) target_semaphore(%run_scoped3A : memref<!tpu.dma_semaphore, #tpu.memory_space<semaphore_mem>>)
      %dma_wait3A = arith.constant 0 : i32
      %dma_wait3A_71 = tpu.memref_slice %arg6[%add3A_24, %dma_wait3A] : memref<10240x128xf32, #tpu.memory_space<vmem_shared>> -> memref<128x128xf32, #tpu.memory_space<vmem_shared>>
      %dma_wait3A_72 = arith.constant 0 : i32
      %dma_wait3A_73 = tpu.memref_slice %arg6[%add3A_24, %dma_wait3A_72] : memref<10240x128xf32, #tpu.memory_space<vmem_shared>> -> memref<128x128xf32, #tpu.memory_space<vmem_shared>>
      tpu.wait_dma2 semaphore(%run_scoped3A : memref<!tpu.dma_semaphore, #tpu.memory_space<semaphore_mem>>) src(%arg5 : memref<128x128xf32, #tpu.memory_space<vmem>>) dst(%dma_wait3A_73 : memref<128x128xf32, #tpu.memory_space<vmem_shared>>)
      tpu.yield
    }) : () -> ()
    %mul3A_25 = arith.constant 640 : i32
    %mul3A_26 = arith.muli %arg1, %mul3A_25 : i32
    %add3A_27 = arith.constant 384 : i32
    %add3A_28 = arith.addi %mul3A_26, %add3A_27 : i32
    "tpu.region"() ({
      %run_scoped3A = tpu.sem_alloc : memref<!tpu.dma_semaphore, #tpu.memory_space<semaphore_mem>>
      %dma_start3A = arith.constant 0 : i32
      %dma_start3A_68 = tpu.memref_slice %arg6[%add3A_28, %dma_start3A] : memref<10240x128xf32, #tpu.memory_space<vmem_shared>> -> memref<128x128xf32, #tpu.memory_space<vmem_shared>>
      %dma_start3A_69 = arith.constant 0 : i32
      %dma_start3A_70 = tpu.memref_slice %arg6[%add3A_28, %dma_start3A_69] : memref<10240x128xf32, #tpu.memory_space<vmem_shared>> -> memref<128x128xf32, #tpu.memory_space<vmem_shared>>
      tpu.enqueue_dma source(%arg5 : memref<128x128xf32, #tpu.memory_space<vmem>>) target(%dma_start3A_70 : memref<128x128xf32, #tpu.memory_space<vmem_shared>>) target_semaphore(%run_scoped3A : memref<!tpu.dma_semaphore, #tpu.memory_space<semaphore_mem>>)
      %dma_wait3A = arith.constant 0 : i32
      %dma_wait3A_71 = tpu.memref_slice %arg6[%add3A_28, %dma_wait3A] : memref<10240x128xf32, #tpu.memory_space<vmem_shared>> -> memref<128x128xf32, #tpu.memory_space<vmem_shared>>
      %dma_wait3A_72 = arith.constant 0 : i32
      %dma_wait3A_73 = tpu.memref_slice %arg6[%add3A_28, %dma_wait3A_72] : memref<10240x128xf32, #tpu.memory_space<vmem_shared>> -> memref<128x128xf32, #tpu.memory_space<vmem_shared>>
      tpu.wait_dma2 semaphore(%run_scoped3A : memref<!tpu.dma_semaphore, #tpu.memory_space<semaphore_mem>>) src(%arg5 : memref<128x128xf32, #tpu.memory_space<vmem>>) dst(%dma_wait3A_73 : memref<128x128xf32, #tpu.memory_space<vmem_shared>>)
      tpu.yield
    }) : () -> ()
    %mul3A_29 = arith.constant 640 : i32
    %mul3A_30 = arith.muli %arg1, %mul3A_29 : i32
    %add3A_31 = arith.constant 512 : i32
    %add3A_32 = arith.addi %mul3A_30, %add3A_31 : i32
    "tpu.region"() ({
      %run_scoped3A = tpu.sem_alloc : memref<!tpu.dma_semaphore, #tpu.memory_space<semaphore_mem>>
      %dma_start3A = arith.constant 0 : i32
      %dma_start3A_68 = tpu.memref_slice %arg6[%add3A_32, %dma_start3A] : memref<10240x128xf32, #tpu.memory_space<vmem_shared>> -> memref<128x128xf32, #tpu.memory_space<vmem_shared>>
      %dma_start3A_69 = arith.constant 0 : i32
      %dma_start3A_70 = tpu.memref_slice %arg6[%add3A_32, %dma_start3A_69] : memref<10240x128xf32, #tpu.memory_space<vmem_shared>> -> memref<128x128xf32, #tpu.memory_space<vmem_shared>>
      tpu.enqueue_dma source(%arg5 : memref<128x128xf32, #tpu.memory_space<vmem>>) target(%dma_start3A_70 : memref<128x128xf32, #tpu.memory_space<vmem_shared>>) target_semaphore(%run_scoped3A : memref<!tpu.dma_semaphore, #tpu.memory_space<semaphore_mem>>)
      %dma_wait3A = arith.constant 0 : i32
      %dma_wait3A_71 = tpu.memref_slice %arg6[%add3A_32, %dma_wait3A] : memref<10240x128xf32, #tpu.memory_space<vmem_shared>> -> memref<128x128xf32, #tpu.memory_space<vmem_shared>>
      %dma_wait3A_72 = arith.constant 0 : i32
      %dma_wait3A_73 = tpu.memref_slice %arg6[%add3A_32, %dma_wait3A_72] : memref<10240x128xf32, #tpu.memory_space<vmem_shared>> -> memref<128x128xf32, #tpu.memory_space<vmem_shared>>
      tpu.wait_dma2 semaphore(%run_scoped3A : memref<!tpu.dma_semaphore, #tpu.memory_space<semaphore_mem>>) src(%arg5 : memref<128x128xf32, #tpu.memory_space<vmem>>) dst(%dma_wait3A_73 : memref<128x128xf32, #tpu.memory_space<vmem_shared>>)
      tpu.yield
    }) : () -> ()
    %scan3A_33 = arith.constant 0 : i32
    %scan3A_34 = arith.constant 0 : i32
    %scan3A_35 = arith.constant 128 : i32
    %scan3A_36 = arith.addi %scan3A_34, %scan3A_35 : i32
    %scan3A_37 = arith.constant 1 : i32
    %scan3A_38 = scf.for %scan3A_68 = %scan3A_34 to %scan3A_36 step %scan3A_37 iter_args(%scan3A_69 = %scan3A_33) -> (i32)  : i32 {
      %swap3A = arith.index_cast %scan3A_68 : i32 to index
      %swap3A_70 = arith.constant 0 : index
      %swap3A_71 = tpu.vector_load %arg5[%swap3A, %swap3A_70] {strides = array<i32>} : memref<128x128xf32, #tpu.memory_space<vmem>>, vector<1x16xf32>,
      %swap3A_72 = vector.shape_cast %swap3A_71 : vector<1x16xf32> to vector<16xf32>
      %swap3A_73 = vector.shape_cast %select_n3A : vector<16xf32> to vector<1x16xf32>
      tpu.vector_store %arg5[%swap3A, %swap3A_70], %swap3A_73 {strides = array<i32>} : memref<128x128xf32, #tpu.memory_space<vmem>>, vector<1x16xf32>,
      %scan3A_74 = arith.constant 0 : i32
      scf.yield %scan3A_74 : i32
    }
    %scan3A_39 = arith.constant 128 : i32
    %barrier3A = arith.constant 0 : index
    tpu.barrier barrier_id(%barrier3A)
    %scan3A_40 = arith.constant 0 : i32
    %scan3A_41 = arith.constant 0 : i32
    %scan3A_42 = arith.constant 10 : i32
    %scan3A_43 = arith.addi %scan3A_41, %scan3A_42 : i32
    %scan3A_44 = arith.constant 1 : i32
    %scan3A_45 = scf.for %scan3A_68 = %scan3A_41 to %scan3A_43 step %scan3A_44 iter_args(%scan3A_69 = %scan3A_40) -> (i32)  : i32 {
      %mul3A_70 = arith.constant 8 : i32
      %mul3A_71 = arith.muli %scan3A_68, %mul3A_70 : i32
      "tpu.region"() ({
        %run_scoped3A = tpu.sem_alloc : memref<!tpu.dma_semaphore, #tpu.memory_space<semaphore_mem>>
        %dma_start3A_183 = arith.constant 0 : i32
        %dma_start3A_184 = tpu.memref_slice %arg2[%add3A, %mul3A_71, %dma_start3A_183] : memref<32x80x128xi32, #tpu.memory_space<hbm>> -> memref<1x8x128xi32, #tpu.memory_space<hbm>>
        %dma_start3A_185 = tpu.memref_squeeze %dma_start3A_184 : memref<1x8x128xi32, #tpu.memory_space<hbm>> -> memref<8x128xi32, #tpu.memory_space<hbm>>
        %dma_start3A_186 = arith.constant 0 : i32
        %dma_start3A_187 = tpu.memref_slice %arg2[%add3A, %mul3A_71, %dma_start3A_186] : memref<32x80x128xi32, #tpu.memory_space<hbm>> -> memref<1x8x128xi32, #tpu.memory_space<hbm>>
        %dma_start3A_188 = tpu.memref_squeeze %dma_start3A_187 : memref<1x8x128xi32, #tpu.memory_space<hbm>> -> memref<8x128xi32, #tpu.memory_space<hbm>>
        tpu.enqueue_dma source(%dma_start3A_188 : memref<8x128xi32, #tpu.memory_space<hbm>>) target(%arg4 : memref<8x128xi32, #tpu.memory_space<vmem>>) target_semaphore(%run_scoped3A : memref<!tpu.dma_semaphore, #tpu.memory_space<semaphore_mem>>)
        %dma_wait3A_189 = arith.constant 0 : i32
        %dma_wait3A_190 = tpu.memref_slice %arg2[%add3A, %mul3A_71, %dma_wait3A_189] : memref<32x80x128xi32, #tpu.memory_space<hbm>> -> memref<1x8x128xi32, #tpu.memory_space<hbm>>
        %dma_wait3A_191 = tpu.memref_squeeze %dma_wait3A_190 : memref<1x8x128xi32, #tpu.memory_space<hbm>> -> memref<8x128xi32, #tpu.memory_space<hbm>>
        %dma_wait3A_192 = arith.constant 0 : i32
        %dma_wait3A_193 = tpu.memref_slice %arg2[%add3A, %mul3A_71, %dma_wait3A_192] : memref<32x80x128xi32, #tpu.memory_space<hbm>> -> memref<1x8x128xi32, #tpu.memory_space<hbm>>
        %dma_wait3A_194 = tpu.memref_squeeze %dma_wait3A_193 : memref<1x8x128xi32, #tpu.memory_space<hbm>> -> memref<8x128xi32, #tpu.memory_space<hbm>>
        tpu.wait_dma2 semaphore(%run_scoped3A : memref<!tpu.dma_semaphore, #tpu.memory_space<semaphore_mem>>) src(%dma_wait3A_194 : memref<8x128xi32, #tpu.memory_space<hbm>>) dst(%arg4 : memref<8x128xi32, #tpu.memory_space<vmem>>)
        tpu.yield
      }) : () -> ()
      %dma_start3A = arith.constant 0 : i32
      %dma_start3A_72 = arith.constant 0 : i32
      %dma_start3A_73 = tpu.memref_slice %arg4[%dma_start3A, %dma_start3A_72] : memref<8x128xi32, #tpu.memory_space<vmem>> -> memref<1x128xi32, #tpu.memory_space<vmem>>
      %dma_start3A_74 = tpu.memref_squeeze %dma_start3A_73 : memref<1x128xi32, #tpu.memory_space<vmem>> -> memref<128xi32, #tpu.memory_space<vmem>>
      %dma_start3A_75 = arith.constant 0 : i32
      %dma_start3A_76 = arith.constant 0 : i32
      %dma_start3A_77 = tpu.memref_slice %arg6[%dma_start3A_75, %dma_start3A_76] : memref<10240x128xf32, #tpu.memory_space<vmem_shared>> -> memref<10240x128xf32, #tpu.memory_space<vmem_shared>>
      tpu.enqueue_indirect_dma source(%arg5 : memref<128x128xf32, #tpu.memory_space<vmem>>) target(%dma_start3A_77 : memref<10240x128xf32, #tpu.memory_space<vmem_shared>>) offsets(%dma_start3A_74 : memref<128xi32, #tpu.memory_space<vmem>>) semaphore(%arg7 : memref<!tpu.dma_semaphore, #tpu.memory_space<semaphore_mem>>) {add = true}
      %dma_start3A_78 = arith.constant 1 : i32
      %dma_start3A_79 = arith.constant 0 : i32
      %dma_start3A_80 = tpu.memref_slice %arg4[%dma_start3A_78, %dma_start3A_79] : memref<8x128xi32, #tpu.memory_space<vmem>> -> memref<1x128xi32, #tpu.memory_space<vmem>>
      %dma_start3A_81 = tpu.memref_squeeze %dma_start3A_80 : memref<1x128xi32, #tpu.memory_space<vmem>> -> memref<128xi32, #tpu.memory_space<vmem>>
      %dma_start3A_82 = arith.constant 0 : i32
      %dma_start3A_83 = arith.constant 0 : i32
      %dma_start3A_84 = tpu.memref_slice %arg6[%dma_start3A_82, %dma_start3A_83] : memref<10240x128xf32, #tpu.memory_space<vmem_shared>> -> memref<10240x128xf32, #tpu.memory_space<vmem_shared>>
      tpu.enqueue_indirect_dma source(%arg5 : memref<128x128xf32, #tpu.memory_space<vmem>>) target(%dma_start3A_84 : memref<10240x128xf32, #tpu.memory_space<vmem_shared>>) offsets(%dma_start3A_81 : memref<128xi32, #tpu.memory_space<vmem>>) semaphore(%arg7 : memref<!tpu.dma_semaphore, #tpu.memory_space<semaphore_mem>>) {add = true}
      %dma_start3A_85 = arith.constant 2 : i32
      %dma_start3A_86 = arith.constant 0 : i32
      %dma_start3A_87 = tpu.memref_slice %arg4[%dma_start3A_85, %dma_start3A_86] : memref<8x128xi32, #tpu.memory_space<vmem>> -> memref<1x128xi32, #tpu.memory_space<vmem>>
      %dma_start3A_88 = tpu.memref_squeeze %dma_start3A_87 : memref<1x128xi32, #tpu.memory_space<vmem>> -> memref<128xi32, #tpu.memory_space<vmem>>
      %dma_start3A_89 = arith.constant 0 : i32
      %dma_start3A_90 = arith.constant 0 : i32
      %dma_start3A_91 = tpu.memref_slice %arg6[%dma_start3A_89, %dma_start3A_90] : memref<10240x128xf32, #tpu.memory_space<vmem_shared>> -> memref<10240x128xf32, #tpu.memory_space<vmem_shared>>
      tpu.enqueue_indirect_dma source(%arg5 : memref<128x128xf32, #tpu.memory_space<vmem>>) target(%dma_start3A_91 : memref<10240x128xf32, #tpu.memory_space<vmem_shared>>) offsets(%dma_start3A_88 : memref<128xi32, #tpu.memory_space<vmem>>) semaphore(%arg7 : memref<!tpu.dma_semaphore, #tpu.memory_space<semaphore_mem>>) {add = true}
      %dma_start3A_92 = arith.constant 3 : i32
      %dma_start3A_93 = arith.constant 0 : i32
      %dma_start3A_94 = tpu.memref_slice %arg4[%dma_start3A_92, %dma_start3A_93] : memref<8x128xi32, #tpu.memory_space<vmem>> -> memref<1x128xi32, #tpu.memory_space<vmem>>
      %dma_start3A_95 = tpu.memref_squeeze %dma_start3A_94 : memref<1x128xi32, #tpu.memory_space<vmem>> -> memref<128xi32, #tpu.memory_space<vmem>>
      %dma_start3A_96 = arith.constant 0 : i32
      %dma_start3A_97 = arith.constant 0 : i32
      %dma_start3A_98 = tpu.memref_slice %arg6[%dma_start3A_96, %dma_start3A_97] : memref<10240x128xf32, #tpu.memory_space<vmem_shared>> -> memref<10240x128xf32, #tpu.memory_space<vmem_shared>>
      tpu.enqueue_indirect_dma source(%arg5 : memref<128x128xf32, #tpu.memory_space<vmem>>) target(%dma_start3A_98 : memref<10240x128xf32, #tpu.memory_space<vmem_shared>>) offsets(%dma_start3A_95 : memref<128xi32, #tpu.memory_space<vmem>>) semaphore(%arg7 : memref<!tpu.dma_semaphore, #tpu.memory_space<semaphore_mem>>) {add = true}
      %dma_start3A_99 = arith.constant 4 : i32
      %dma_start3A_100 = arith.constant 0 : i32
      %dma_start3A_101 = tpu.memref_slice %arg4[%dma_start3A_99, %dma_start3A_100] : memref<8x128xi32, #tpu.memory_space<vmem>> -> memref<1x128xi32, #tpu.memory_space<vmem>>
      %dma_start3A_102 = tpu.memref_squeeze %dma_start3A_101 : memref<1x128xi32, #tpu.memory_space<vmem>> -> memref<128xi32, #tpu.memory_space<vmem>>
      %dma_start3A_103 = arith.constant 0 : i32
      %dma_start3A_104 = arith.constant 0 : i32
      %dma_start3A_105 = tpu.memref_slice %arg6[%dma_start3A_103, %dma_start3A_104] : memref<10240x128xf32, #tpu.memory_space<vmem_shared>> -> memref<10240x128xf32, #tpu.memory_space<vmem_shared>>
      tpu.enqueue_indirect_dma source(%arg5 : memref<128x128xf32, #tpu.memory_space<vmem>>) target(%dma_start3A_105 : memref<10240x128xf32, #tpu.memory_space<vmem_shared>>) offsets(%dma_start3A_102 : memref<128xi32, #tpu.memory_space<vmem>>) semaphore(%arg7 : memref<!tpu.dma_semaphore, #tpu.memory_space<semaphore_mem>>) {add = true}
      %dma_start3A_106 = arith.constant 5 : i32
      %dma_start3A_107 = arith.constant 0 : i32
      %dma_start3A_108 = tpu.memref_slice %arg4[%dma_start3A_106, %dma_start3A_107] : memref<8x128xi32, #tpu.memory_space<vmem>> -> memref<1x128xi32, #tpu.memory_space<vmem>>
      %dma_start3A_109 = tpu.memref_squeeze %dma_start3A_108 : memref<1x128xi32, #tpu.memory_space<vmem>> -> memref<128xi32, #tpu.memory_space<vmem>>
      %dma_start3A_110 = arith.constant 0 : i32
      %dma_start3A_111 = arith.constant 0 : i32
      %dma_start3A_112 = tpu.memref_slice %arg6[%dma_start3A_110, %dma_start3A_111] : memref<10240x128xf32, #tpu.memory_space<vmem_shared>> -> memref<10240x128xf32, #tpu.memory_space<vmem_shared>>
      tpu.enqueue_indirect_dma source(%arg5 : memref<128x128xf32, #tpu.memory_space<vmem>>) target(%dma_start3A_112 : memref<10240x128xf32, #tpu.memory_space<vmem_shared>>) offsets(%dma_start3A_109 : memref<128xi32, #tpu.memory_space<vmem>>) semaphore(%arg7 : memref<!tpu.dma_semaphore, #tpu.memory_space<semaphore_mem>>) {add = true}
      %dma_start3A_113 = arith.constant 6 : i32
      %dma_start3A_114 = arith.constant 0 : i32
      %dma_start3A_115 = tpu.memref_slice %arg4[%dma_start3A_113, %dma_start3A_114] : memref<8x128xi32, #tpu.memory_space<vmem>> -> memref<1x128xi32, #tpu.memory_space<vmem>>
      %dma_start3A_116 = tpu.memref_squeeze %dma_start3A_115 : memref<1x128xi32, #tpu.memory_space<vmem>> -> memref<128xi32, #tpu.memory_space<vmem>>
      %dma_start3A_117 = arith.constant 0 : i32
      %dma_start3A_118 = arith.constant 0 : i32
      %dma_start3A_119 = tpu.memref_slice %arg6[%dma_start3A_117, %dma_start3A_118] : memref<10240x128xf32, #tpu.memory_space<vmem_shared>> -> memref<10240x128xf32, #tpu.memory_space<vmem_shared>>
      tpu.enqueue_indirect_dma source(%arg5 : memref<128x128xf32, #tpu.memory_space<vmem>>) target(%dma_start3A_119 : memref<10240x128xf32, #tpu.memory_space<vmem_shared>>) offsets(%dma_start3A_116 : memref<128xi32, #tpu.memory_space<vmem>>) semaphore(%arg7 : memref<!tpu.dma_semaphore, #tpu.memory_space<semaphore_mem>>) {add = true}
      %dma_start3A_120 = arith.constant 7 : i32
      %dma_start3A_121 = arith.constant 0 : i32
      %dma_start3A_122 = tpu.memref_slice %arg4[%dma_start3A_120, %dma_start3A_121] : memref<8x128xi32, #tpu.memory_space<vmem>> -> memref<1x128xi32, #tpu.memory_space<vmem>>
      %dma_start3A_123 = tpu.memref_squeeze %dma_start3A_122 : memref<1x128xi32, #tpu.memory_space<vmem>> -> memref<128xi32, #tpu.memory_space<vmem>>
      %dma_start3A_124 = arith.constant 0 : i32
      %dma_start3A_125 = arith.constant 0 : i32
      %dma_start3A_126 = tpu.memref_slice %arg6[%dma_start3A_124, %dma_start3A_125] : memref<10240x128xf32, #tpu.memory_space<vmem_shared>> -> memref<10240x128xf32, #tpu.memory_space<vmem_shared>>
      tpu.enqueue_indirect_dma source(%arg5 : memref<128x128xf32, #tpu.memory_space<vmem>>) target(%dma_start3A_126 : memref<10240x128xf32, #tpu.memory_space<vmem_shared>>) offsets(%dma_start3A_123 : memref<128xi32, #tpu.memory_space<vmem>>) semaphore(%arg7 : memref<!tpu.dma_semaphore, #tpu.memory_space<semaphore_mem>>) {add = true}
      %dma_wait3A = arith.constant 0 : i32
      %dma_wait3A_127 = arith.constant 0 : i32
      %dma_wait3A_128 = tpu.memref_slice %arg4[%dma_wait3A, %dma_wait3A_127] : memref<8x128xi32, #tpu.memory_space<vmem>> -> memref<1x128xi32, #tpu.memory_space<vmem>>
      %dma_wait3A_129 = tpu.memref_squeeze %dma_wait3A_128 : memref<1x128xi32, #tpu.memory_space<vmem>> -> memref<128xi32, #tpu.memory_space<vmem>>
      %dma_wait3A_130 = arith.constant 0 : i32
      %dma_wait3A_131 = arith.constant 0 : i32
      %dma_wait3A_132 = tpu.memref_slice %arg6[%dma_wait3A_130, %dma_wait3A_131] : memref<10240x128xf32, #tpu.memory_space<vmem_shared>> -> memref<10240x128xf32, #tpu.memory_space<vmem_shared>>
      tpu.wait_indirect_dma semaphore(%arg7 : memref<!tpu.dma_semaphore, #tpu.memory_space<semaphore_mem>>) src(%arg5 : memref<128x128xf32, #tpu.memory_space<vmem>>) dst(%dma_wait3A_132 : memref<10240x128xf32, #tpu.memory_space<vmem_shared>>)
      %dma_wait3A_133 = arith.constant 1 : i32
      %dma_wait3A_134 = arith.constant 0 : i32
      %dma_wait3A_135 = tpu.memref_slice %arg4[%dma_wait3A_133, %dma_wait3A_134] : memref<8x128xi32, #tpu.memory_space<vmem>> -> memref<1x128xi32, #tpu.memory_space<vmem>>
      %dma_wait3A_136 = tpu.memref_squeeze %dma_wait3A_135 : memref<1x128xi32, #tpu.memory_space<vmem>> -> memref<128xi32, #tpu.memory_space<vmem>>
      %dma_wait3A_137 = arith.constant 0 : i32
      %dma_wait3A_138 = arith.constant 0 : i32
      %dma_wait3A_139 = tpu.memref_slice %arg6[%dma_wait3A_137, %dma_wait3A_138] : memref<10240x128xf32, #tpu.memory_space<vmem_shared>> -> memref<10240x128xf32, #tpu.memory_space<vmem_shared>>
      tpu.wait_indirect_dma semaphore(%arg7 : memref<!tpu.dma_semaphore, #tpu.memory_space<semaphore_mem>>) src(%arg5 : memref<128x128xf32, #tpu.memory_space<vmem>>) dst(%dma_wait3A_139 : memref<10240x128xf32, #tpu.memory_space<vmem_shared>>)
      %dma_wait3A_140 = arith.constant 2 : i32
      %dma_wait3A_141 = arith.constant 0 : i32
      %dma_wait3A_142 = tpu.memref_slice %arg4[%dma_wait3A_140, %dma_wait3A_141] : memref<8x128xi32, #tpu.memory_space<vmem>> -> memref<1x128xi32, #tpu.memory_space<vmem>>
      %dma_wait3A_143 = tpu.memref_squeeze %dma_wait3A_142 : memref<1x128xi32, #tpu.memory_space<vmem>> -> memref<128xi32, #tpu.memory_space<vmem>>
      %dma_wait3A_144 = arith.constant 0 : i32
      %dma_wait3A_145 = arith.constant 0 : i32
      %dma_wait3A_146 = tpu.memref_slice %arg6[%dma_wait3A_144, %dma_wait3A_145] : memref<10240x128xf32, #tpu.memory_space<vmem_shared>> -> memref<10240x128xf32, #tpu.memory_space<vmem_shared>>
      tpu.wait_indirect_dma semaphore(%arg7 : memref<!tpu.dma_semaphore, #tpu.memory_space<semaphore_mem>>) src(%arg5 : memref<128x128xf32, #tpu.memory_space<vmem>>) dst(%dma_wait3A_146 : memref<10240x128xf32, #tpu.memory_space<vmem_shared>>)
      %dma_wait3A_147 = arith.constant 3 : i32
      %dma_wait3A_148 = arith.constant 0 : i32
      %dma_wait3A_149 = tpu.memref_slice %arg4[%dma_wait3A_147, %dma_wait3A_148] : memref<8x128xi32, #tpu.memory_space<vmem>> -> memref<1x128xi32, #tpu.memory_space<vmem>>
      %dma_wait3A_150 = tpu.memref_squeeze %dma_wait3A_149 : memref<1x128xi32, #tpu.memory_space<vmem>> -> memref<128xi32, #tpu.memory_space<vmem>>
      %dma_wait3A_151 = arith.constant 0 : i32
      %dma_wait3A_152 = arith.constant 0 : i32
      %dma_wait3A_153 = tpu.memref_slice %arg6[%dma_wait3A_151, %dma_wait3A_152] : memref<10240x128xf32, #tpu.memory_space<vmem_shared>> -> memref<10240x128xf32, #tpu.memory_space<vmem_shared>>
      tpu.wait_indirect_dma semaphore(%arg7 : memref<!tpu.dma_semaphore, #tpu.memory_space<semaphore_mem>>) src(%arg5 : memref<128x128xf32, #tpu.memory_space<vmem>>) dst(%dma_wait3A_153 : memref<10240x128xf32, #tpu.memory_space<vmem_shared>>)
      %dma_wait3A_154 = arith.constant 4 : i32
      %dma_wait3A_155 = arith.constant 0 : i32
      %dma_wait3A_156 = tpu.memref_slice %arg4[%dma_wait3A_154, %dma_wait3A_155] : memref<8x128xi32, #tpu.memory_space<vmem>> -> memref<1x128xi32, #tpu.memory_space<vmem>>
      %dma_wait3A_157 = tpu.memref_squeeze %dma_wait3A_156 : memref<1x128xi32, #tpu.memory_space<vmem>> -> memref<128xi32, #tpu.memory_space<vmem>>
      %dma_wait3A_158 = arith.constant 0 : i32
      %dma_wait3A_159 = arith.constant 0 : i32
      %dma_wait3A_160 = tpu.memref_slice %arg6[%dma_wait3A_158, %dma_wait3A_159] : memref<10240x128xf32, #tpu.memory_space<vmem_shared>> -> memref<10240x128xf32, #tpu.memory_space<vmem_shared>>
      tpu.wait_indirect_dma semaphore(%arg7 : memref<!tpu.dma_semaphore, #tpu.memory_space<semaphore_mem>>) src(%arg5 : memref<128x128xf32, #tpu.memory_space<vmem>>) dst(%dma_wait3A_160 : memref<10240x128xf32, #tpu.memory_space<vmem_shared>>)
      %dma_wait3A_161 = arith.constant 5 : i32
      %dma_wait3A_162 = arith.constant 0 : i32
      %dma_wait3A_163 = tpu.memref_slice %arg4[%dma_wait3A_161, %dma_wait3A_162] : memref<8x128xi32, #tpu.memory_space<vmem>> -> memref<1x128xi32, #tpu.memory_space<vmem>>
      %dma_wait3A_164 = tpu.memref_squeeze %dma_wait3A_163 : memref<1x128xi32, #tpu.memory_space<vmem>> -> memref<128xi32, #tpu.memory_space<vmem>>
      %dma_wait3A_165 = arith.constant 0 : i32
      %dma_wait3A_166 = arith.constant 0 : i32
      %dma_wait3A_167 = tpu.memref_slice %arg6[%dma_wait3A_165, %dma_wait3A_166] : memref<10240x128xf32, #tpu.memory_space<vmem_shared>> -> memref<10240x128xf32, #tpu.memory_space<vmem_shared>>
      tpu.wait_indirect_dma semaphore(%arg7 : memref<!tpu.dma_semaphore, #tpu.memory_space<semaphore_mem>>) src(%arg5 : memref<128x128xf32, #tpu.memory_space<vmem>>) dst(%dma_wait3A_167 : memref<10240x128xf32, #tpu.memory_space<vmem_shared>>)
      %dma_wait3A_168 = arith.constant 6 : i32
      %dma_wait3A_169 = arith.constant 0 : i32
      %dma_wait3A_170 = tpu.memref_slice %arg4[%dma_wait3A_168, %dma_wait3A_169] : memref<8x128xi32, #tpu.memory_space<vmem>> -> memref<1x128xi32, #tpu.memory_space<vmem>>
      %dma_wait3A_171 = tpu.memref_squeeze %dma_wait3A_170 : memref<1x128xi32, #tpu.memory_space<vmem>> -> memref<128xi32, #tpu.memory_space<vmem>>
      %dma_wait3A_172 = arith.constant 0 : i32
      %dma_wait3A_173 = arith.constant 0 : i32
      %dma_wait3A_174 = tpu.memref_slice %arg6[%dma_wait3A_172, %dma_wait3A_173] : memref<10240x128xf32, #tpu.memory_space<vmem_shared>> -> memref<10240x128xf32, #tpu.memory_space<vmem_shared>>
      tpu.wait_indirect_dma semaphore(%arg7 : memref<!tpu.dma_semaphore, #tpu.memory_space<semaphore_mem>>) src(%arg5 : memref<128x128xf32, #tpu.memory_space<vmem>>) dst(%dma_wait3A_174 : memref<10240x128xf32, #tpu.memory_space<vmem_shared>>)
      %dma_wait3A_175 = arith.constant 7 : i32
      %dma_wait3A_176 = arith.constant 0 : i32
      %dma_wait3A_177 = tpu.memref_slice %arg4[%dma_wait3A_175, %dma_wait3A_176] : memref<8x128xi32, #tpu.memory_space<vmem>> -> memref<1x128xi32, #tpu.memory_space<vmem>>
      %dma_wait3A_178 = tpu.memref_squeeze %dma_wait3A_177 : memref<1x128xi32, #tpu.memory_space<vmem>> -> memref<128xi32, #tpu.memory_space<vmem>>
      %dma_wait3A_179 = arith.constant 0 : i32
      %dma_wait3A_180 = arith.constant 0 : i32
      %dma_wait3A_181 = tpu.memref_slice %arg6[%dma_wait3A_179, %dma_wait3A_180] : memref<10240x128xf32, #tpu.memory_space<vmem_shared>> -> memref<10240x128xf32, #tpu.memory_space<vmem_shared>>
      tpu.wait_indirect_dma semaphore(%arg7 : memref<!tpu.dma_semaphore, #tpu.memory_space<semaphore_mem>>) src(%arg5 : memref<128x128xf32, #tpu.memory_space<vmem>>) dst(%dma_wait3A_181 : memref<10240x128xf32, #tpu.memory_space<vmem_shared>>)
      %scan3A_182 = arith.constant 0 : i32
      scf.yield %scan3A_182 : i32
    }
    %scan3A_46 = arith.constant 10 : i32
    %barrier3A_47 = arith.constant 0 : index
    tpu.barrier barrier_id(%barrier3A_47)
    %mul3A_48 = arith.constant 640 : i32
    %mul3A_49 = arith.muli %arg1, %mul3A_48 : i32
    %add3A_50 = arith.constant 0 : i32
    %add3A_51 = arith.addi %mul3A_49, %add3A_50 : i32
    "tpu.region"() ({
      %run_scoped3A = tpu.sem_alloc : memref<!tpu.dma_semaphore, #tpu.memory_space<semaphore_mem>>
      %dma_start3A = arith.constant 0 : i32
      %dma_start3A_68 = tpu.memref_slice %arg6[%add3A_51, %dma_start3A] : memref<10240x128xf32, #tpu.memory_space<vmem_shared>> -> memref<128x128xf32, #tpu.memory_space<vmem_shared>>
      %dma_start3A_69 = arith.constant 0 : i32
      %dma_start3A_70 = tpu.memref_slice %arg6[%add3A_51, %dma_start3A_69] : memref<10240x128xf32, #tpu.memory_space<vmem_shared>> -> memref<128x128xf32, #tpu.memory_space<vmem_shared>>
      tpu.enqueue_dma source(%dma_start3A_70 : memref<128x128xf32, #tpu.memory_space<vmem_shared>>) target(%arg5 : memref<128x128xf32, #tpu.memory_space<vmem>>) target_semaphore(%run_scoped3A : memref<!tpu.dma_semaphore, #tpu.memory_space<semaphore_mem>>)
      %dma_wait3A = arith.constant 0 : i32
      %dma_wait3A_71 = tpu.memref_slice %arg6[%add3A_51, %dma_wait3A] : memref<10240x128xf32, #tpu.memory_space<vmem_shared>> -> memref<128x128xf32, #tpu.memory_space<vmem_shared>>
      %dma_wait3A_72 = arith.constant 0 : i32
      %dma_wait3A_73 = tpu.memref_slice %arg6[%add3A_51, %dma_wait3A_72] : memref<10240x128xf32, #tpu.memory_space<vmem_shared>> -> memref<128x128xf32, #tpu.memory_space<vmem_shared>>
      tpu.wait_dma2 semaphore(%run_scoped3A : memref<!tpu.dma_semaphore, #tpu.memory_space<semaphore_mem>>) src(%dma_wait3A_73 : memref<128x128xf32, #tpu.memory_space<vmem_shared>>) dst(%arg5 : memref<128x128xf32, #tpu.memory_space<vmem>>)
      tpu.yield
    }) : () -> ()
    "tpu.region"() ({
      %run_scoped3A = tpu.sem_alloc : memref<!tpu.dma_semaphore, #tpu.memory_space<semaphore_mem>>
      %dma_start3A = arith.constant 0 : i32
      %dma_start3A_68 = tpu.memref_slice %arg3[%arg0, %add3A_51, %dma_start3A] : memref<2x10240x128xf32, #tpu.memory_space<hbm>> -> memref<1x128x128xf32, #tpu.memory_space<hbm>>
      %dma_start3A_69 = tpu.memref_squeeze %dma_start3A_68 : memref<1x128x128xf32, #tpu.memory_space<hbm>> -> memref<128x128xf32, #tpu.memory_space<hbm>>
      %dma_start3A_70 = arith.constant 0 : i32
      %dma_start3A_71 = tpu.memref_slice %arg3[%arg0, %add3A_51, %dma_start3A_70] : memref<2x10240x128xf32, #tpu.memory_space<hbm>> -> memref<1x128x128xf32, #tpu.memory_space<hbm>>
      %dma_start3A_72 = tpu.memref_squeeze %dma_start3A_71 : memref<1x128x128xf32, #tpu.memory_space<hbm>> -> memref<128x128xf32, #tpu.memory_space<hbm>>
      tpu.enqueue_dma source(%arg5 : memref<128x128xf32, #tpu.memory_space<vmem>>) target(%dma_start3A_72 : memref<128x128xf32, #tpu.memory_space<hbm>>) target_semaphore(%run_scoped3A : memref<!tpu.dma_semaphore, #tpu.memory_space<semaphore_mem>>)
      %dma_wait3A = arith.constant 0 : i32
      %dma_wait3A_73 = tpu.memref_slice %arg3[%arg0, %add3A_51, %dma_wait3A] : memref<2x10240x128xf32, #tpu.memory_space<hbm>> -> memref<1x128x128xf32, #tpu.memory_space<hbm>>
      %dma_wait3A_74 = tpu.memref_squeeze %dma_wait3A_73 : memref<1x128x128xf32, #tpu.memory_space<hbm>> -> memref<128x128xf32, #tpu.memory_space<hbm>>
      %dma_wait3A_75 = arith.constant 0 : i32
      %dma_wait3A_76 = tpu.memref_slice %arg3[%arg0, %add3A_51, %dma_wait3A_75] : memref<2x10240x128xf32, #tpu.memory_space<hbm>> -> memref<1x128x128xf32, #tpu.memory_space<hbm>>
      %dma_wait3A_77 = tpu.memref_squeeze %dma_wait3A_76 : memref<1x128x128xf32, #tpu.memory_space<hbm>> -> memref<128x128xf32, #tpu.memory_space<hbm>>
      tpu.wait_dma2 semaphore(%run_scoped3A : memref<!tpu.dma_semaphore, #tpu.memory_space<semaphore_mem>>) src(%arg5 : memref<128x128xf32, #tpu.memory_space<vmem>>) dst(%dma_wait3A_77 : memref<128x128xf32, #tpu.memory_space<hbm>>)
      tpu.yield
    }) : () -> ()
    %mul3A_52 = arith.constant 640 : i32
    %mul3A_53 = arith.muli %arg1, %mul3A_52 : i32
    %add3A_54 = arith.constant 128 : i32
    %add3A_55 = arith.addi %mul3A_53, %add3A_54 : i32
    "tpu.region"() ({
      %run_scoped3A = tpu.sem_alloc : memref<!tpu.dma_semaphore, #tpu.memory_space<semaphore_mem>>
      %dma_start3A = arith.constant 0 : i32
      %dma_start3A_68 = tpu.memref_slice %arg6[%add3A_55, %dma_start3A] : memref<10240x128xf32, #tpu.memory_space<vmem_shared>> -> memref<128x128xf32, #tpu.memory_space<vmem_shared>>
      %dma_start3A_69 = arith.constant 0 : i32
      %dma_start3A_70 = tpu.memref_slice %arg6[%add3A_55, %dma_start3A_69] : memref<10240x128xf32, #tpu.memory_space<vmem_shared>> -> memref<128x128xf32, #tpu.memory_space<vmem_shared>>
      tpu.enqueue_dma source(%dma_start3A_70 : memref<128x128xf32, #tpu.memory_space<vmem_shared>>) target(%arg5 : memref<128x128xf32, #tpu.memory_space<vmem>>) target_semaphore(%run_scoped3A : memref<!tpu.dma_semaphore, #tpu.memory_space<semaphore_mem>>)
      %dma_wait3A = arith.constant 0 : i32
      %dma_wait3A_71 = tpu.memref_slice %arg6[%add3A_55, %dma_wait3A] : memref<10240x128xf32, #tpu.memory_space<vmem_shared>> -> memref<128x128xf32, #tpu.memory_space<vmem_shared>>
      %dma_wait3A_72 = arith.constant 0 : i32
      %dma_wait3A_73 = tpu.memref_slice %arg6[%add3A_55, %dma_wait3A_72] : memref<10240x128xf32, #tpu.memory_space<vmem_shared>> -> memref<128x128xf32, #tpu.memory_space<vmem_shared>>
      tpu.wait_dma2 semaphore(%run_scoped3A : memref<!tpu.dma_semaphore, #tpu.memory_space<semaphore_mem>>) src(%dma_wait3A_73 : memref<128x128xf32, #tpu.memory_space<vmem_shared>>) dst(%arg5 : memref<128x128xf32, #tpu.memory_space<vmem>>)
      tpu.yield
    }) : () -> ()
    "tpu.region"() ({
      %run_scoped3A = tpu.sem_alloc : memref<!tpu.dma_semaphore, #tpu.memory_space<semaphore_mem>>
      %dma_start3A = arith.constant 0 : i32
      %dma_start3A_68 = tpu.memref_slice %arg3[%arg0, %add3A_55, %dma_start3A] : memref<2x10240x128xf32, #tpu.memory_space<hbm>> -> memref<1x128x128xf32, #tpu.memory_space<hbm>>
      %dma_start3A_69 = tpu.memref_squeeze %dma_start3A_68 : memref<1x128x128xf32, #tpu.memory_space<hbm>> -> memref<128x128xf32, #tpu.memory_space<hbm>>
      %dma_start3A_70 = arith.constant 0 : i32
      %dma_start3A_71 = tpu.memref_slice %arg3[%arg0, %add3A_55, %dma_start3A_70] : memref<2x10240x128xf32, #tpu.memory_space<hbm>> -> memref<1x128x128xf32, #tpu.memory_space<hbm>>
      %dma_start3A_72 = tpu.memref_squeeze %dma_start3A_71 : memref<1x128x128xf32, #tpu.memory_space<hbm>> -> memref<128x128xf32, #tpu.memory_space<hbm>>
      tpu.enqueue_dma source(%arg5 : memref<128x128xf32, #tpu.memory_space<vmem>>) target(%dma_start3A_72 : memref<128x128xf32, #tpu.memory_space<hbm>>) target_semaphore(%run_scoped3A : memref<!tpu.dma_semaphore, #tpu.memory_space<semaphore_mem>>)
      %dma_wait3A = arith.constant 0 : i32
      %dma_wait3A_73 = tpu.memref_slice %arg3[%arg0, %add3A_55, %dma_wait3A] : memref<2x10240x128xf32, #tpu.memory_space<hbm>> -> memref<1x128x128xf32, #tpu.memory_space<hbm>>
      %dma_wait3A_74 = tpu.memref_squeeze %dma_wait3A_73 : memref<1x128x128xf32, #tpu.memory_space<hbm>> -> memref<128x128xf32, #tpu.memory_space<hbm>>
      %dma_wait3A_75 = arith.constant 0 : i32
      %dma_wait3A_76 = tpu.memref_slice %arg3[%arg0, %add3A_55, %dma_wait3A_75] : memref<2x10240x128xf32, #tpu.memory_space<hbm>> -> memref<1x128x128xf32, #tpu.memory_space<hbm>>
      %dma_wait3A_77 = tpu.memref_squeeze %dma_wait3A_76 : memref<1x128x128xf32, #tpu.memory_space<hbm>> -> memref<128x128xf32, #tpu.memory_space<hbm>>
      tpu.wait_dma2 semaphore(%run_scoped3A : memref<!tpu.dma_semaphore, #tpu.memory_space<semaphore_mem>>) src(%arg5 : memref<128x128xf32, #tpu.memory_space<vmem>>) dst(%dma_wait3A_77 : memref<128x128xf32, #tpu.memory_space<hbm>>)
      tpu.yield
    }) : () -> ()
    %mul3A_56 = arith.constant 640 : i32
    %mul3A_57 = arith.muli %arg1, %mul3A_56 : i32
    %add3A_58 = arith.constant 256 : i32
    %add3A_59 = arith.addi %mul3A_57, %add3A_58 : i32
    "tpu.region"() ({
      %run_scoped3A = tpu.sem_alloc : memref<!tpu.dma_semaphore, #tpu.memory_space<semaphore_mem>>
      %dma_start3A = arith.constant 0 : i32
      %dma_start3A_68 = tpu.memref_slice %arg6[%add3A_59, %dma_start3A] : memref<10240x128xf32, #tpu.memory_space<vmem_shared>> -> memref<128x128xf32, #tpu.memory_space<vmem_shared>>
      %dma_start3A_69 = arith.constant 0 : i32
      %dma_start3A_70 = tpu.memref_slice %arg6[%add3A_59, %dma_start3A_69] : memref<10240x128xf32, #tpu.memory_space<vmem_shared>> -> memref<128x128xf32, #tpu.memory_space<vmem_shared>>
      tpu.enqueue_dma source(%dma_start3A_70 : memref<128x128xf32, #tpu.memory_space<vmem_shared>>) target(%arg5 : memref<128x128xf32, #tpu.memory_space<vmem>>) target_semaphore(%run_scoped3A : memref<!tpu.dma_semaphore, #tpu.memory_space<semaphore_mem>>)
      %dma_wait3A = arith.constant 0 : i32
      %dma_wait3A_71 = tpu.memref_slice %arg6[%add3A_59, %dma_wait3A] : memref<10240x128xf32, #tpu.memory_space<vmem_shared>> -> memref<128x128xf32, #tpu.memory_space<vmem_shared>>
      %dma_wait3A_72 = arith.constant 0 : i32
      %dma_wait3A_73 = tpu.memref_slice %arg6[%add3A_59, %dma_wait3A_72] : memref<10240x128xf32, #tpu.memory_space<vmem_shared>> -> memref<128x128xf32, #tpu.memory_space<vmem_shared>>
      tpu.wait_dma2 semaphore(%run_scoped3A : memref<!tpu.dma_semaphore, #tpu.memory_space<semaphore_mem>>) src(%dma_wait3A_73 : memref<128x128xf32, #tpu.memory_space<vmem_shared>>) dst(%arg5 : memref<128x128xf32, #tpu.memory_space<vmem>>)
      tpu.yield
    }) : () -> ()
    "tpu.region"() ({
      %run_scoped3A = tpu.sem_alloc : memref<!tpu.dma_semaphore, #tpu.memory_space<semaphore_mem>>
      %dma_start3A = arith.constant 0 : i32
      %dma_start3A_68 = tpu.memref_slice %arg3[%arg0, %add3A_59, %dma_start3A] : memref<2x10240x128xf32, #tpu.memory_space<hbm>> -> memref<1x128x128xf32, #tpu.memory_space<hbm>>
      %dma_start3A_69 = tpu.memref_squeeze %dma_start3A_68 : memref<1x128x128xf32, #tpu.memory_space<hbm>> -> memref<128x128xf32, #tpu.memory_space<hbm>>
      %dma_start3A_70 = arith.constant 0 : i32
      %dma_start3A_71 = tpu.memref_slice %arg3[%arg0, %add3A_59, %dma_start3A_70] : memref<2x10240x128xf32, #tpu.memory_space<hbm>> -> memref<1x128x128xf32, #tpu.memory_space<hbm>>
      %dma_start3A_72 = tpu.memref_squeeze %dma_start3A_71 : memref<1x128x128xf32, #tpu.memory_space<hbm>> -> memref<128x128xf32, #tpu.memory_space<hbm>>
      tpu.enqueue_dma source(%arg5 : memref<128x128xf32, #tpu.memory_space<vmem>>) target(%dma_start3A_72 : memref<128x128xf32, #tpu.memory_space<hbm>>) target_semaphore(%run_scoped3A : memref<!tpu.dma_semaphore, #tpu.memory_space<semaphore_mem>>)
      %dma_wait3A = arith.constant 0 : i32
      %dma_wait3A_73 = tpu.memref_slice %arg3[%arg0, %add3A_59, %dma_wait3A] : memref<2x10240x128xf32, #tpu.memory_space<hbm>> -> memref<1x128x128xf32, #tpu.memory_space<hbm>>
      %dma_wait3A_74 = tpu.memref_squeeze %dma_wait3A_73 : memref<1x128x128xf32, #tpu.memory_space<hbm>> -> memref<128x128xf32, #tpu.memory_space<hbm>>
      %dma_wait3A_75 = arith.constant 0 : i32
      %dma_wait3A_76 = tpu.memref_slice %arg3[%arg0, %add3A_59, %dma_wait3A_75] : memref<2x10240x128xf32, #tpu.memory_space<hbm>> -> memref<1x128x128xf32, #tpu.memory_space<hbm>>
      %dma_wait3A_77 = tpu.memref_squeeze %dma_wait3A_76 : memref<1x128x128xf32, #tpu.memory_space<hbm>> -> memref<128x128xf32, #tpu.memory_space<hbm>>
      tpu.wait_dma2 semaphore(%run_scoped3A : memref<!tpu.dma_semaphore, #tpu.memory_space<semaphore_mem>>) src(%arg5 : memref<128x128xf32, #tpu.memory_space<vmem>>) dst(%dma_wait3A_77 : memref<128x128xf32, #tpu.memory_space<hbm>>)
      tpu.yield
    }) : () -> ()
    %mul3A_60 = arith.constant 640 : i32
    %mul3A_61 = arith.muli %arg1, %mul3A_60 : i32
    %add3A_62 = arith.constant 384 : i32
    %add3A_63 = arith.addi %mul3A_61, %add3A_62 : i32
    "tpu.region"() ({
      %run_scoped3A = tpu.sem_alloc : memref<!tpu.dma_semaphore, #tpu.memory_space<semaphore_mem>>
      %dma_start3A = arith.constant 0 : i32
      %dma_start3A_68 = tpu.memref_slice %arg6[%add3A_63, %dma_start3A] : memref<10240x128xf32, #tpu.memory_space<vmem_shared>> -> memref<128x128xf32, #tpu.memory_space<vmem_shared>>
      %dma_start3A_69 = arith.constant 0 : i32
      %dma_start3A_70 = tpu.memref_slice %arg6[%add3A_63, %dma_start3A_69] : memref<10240x128xf32, #tpu.memory_space<vmem_shared>> -> memref<128x128xf32, #tpu.memory_space<vmem_shared>>
      tpu.enqueue_dma source(%dma_start3A_70 : memref<128x128xf32, #tpu.memory_space<vmem_shared>>) target(%arg5 : memref<128x128xf32, #tpu.memory_space<vmem>>) target_semaphore(%run_scoped3A : memref<!tpu.dma_semaphore, #tpu.memory_space<semaphore_mem>>)
      %dma_wait3A = arith.constant 0 : i32
      %dma_wait3A_71 = tpu.memref_slice %arg6[%add3A_63, %dma_wait3A] : memref<10240x128xf32, #tpu.memory_space<vmem_shared>> -> memref<128x128xf32, #tpu.memory_space<vmem_shared>>
      %dma_wait3A_72 = arith.constant 0 : i32
      %dma_wait3A_73 = tpu.memref_slice %arg6[%add3A_63, %dma_wait3A_72] : memref<10240x128xf32, #tpu.memory_space<vmem_shared>> -> memref<128x128xf32, #tpu.memory_space<vmem_shared>>
      tpu.wait_dma2 semaphore(%run_scoped3A : memref<!tpu.dma_semaphore, #tpu.memory_space<semaphore_mem>>) src(%dma_wait3A_73 : memref<128x128xf32, #tpu.memory_space<vmem_shared>>) dst(%arg5 : memref<128x128xf32, #tpu.memory_space<vmem>>)
      tpu.yield
    }) : () -> ()
    "tpu.region"() ({
      %run_scoped3A = tpu.sem_alloc : memref<!tpu.dma_semaphore, #tpu.memory_space<semaphore_mem>>
      %dma_start3A = arith.constant 0 : i32
      %dma_start3A_68 = tpu.memref_slice %arg3[%arg0, %add3A_63, %dma_start3A] : memref<2x10240x128xf32, #tpu.memory_space<hbm>> -> memref<1x128x128xf32, #tpu.memory_space<hbm>>
      %dma_start3A_69 = tpu.memref_squeeze %dma_start3A_68 : memref<1x128x128xf32, #tpu.memory_space<hbm>> -> memref<128x128xf32, #tpu.memory_space<hbm>>
      %dma_start3A_70 = arith.constant 0 : i32
      %dma_start3A_71 = tpu.memref_slice %arg3[%arg0, %add3A_63, %dma_start3A_70] : memref<2x10240x128xf32, #tpu.memory_space<hbm>> -> memref<1x128x128xf32, #tpu.memory_space<hbm>>
      %dma_start3A_72 = tpu.memref_squeeze %dma_start3A_71 : memref<1x128x128xf32, #tpu.memory_space<hbm>> -> memref<128x128xf32, #tpu.memory_space<hbm>>
      tpu.enqueue_dma source(%arg5 : memref<128x128xf32, #tpu.memory_space<vmem>>) target(%dma_start3A_72 : memref<128x128xf32, #tpu.memory_space<hbm>>) target_semaphore(%run_scoped3A : memref<!tpu.dma_semaphore, #tpu.memory_space<semaphore_mem>>)
      %dma_wait3A = arith.constant 0 : i32
      %dma_wait3A_73 = tpu.memref_slice %arg3[%arg0, %add3A_63, %dma_wait3A] : memref<2x10240x128xf32, #tpu.memory_space<hbm>> -> memref<1x128x128xf32, #tpu.memory_space<hbm>>
      %dma_wait3A_74 = tpu.memref_squeeze %dma_wait3A_73 : memref<1x128x128xf32, #tpu.memory_space<hbm>> -> memref<128x128xf32, #tpu.memory_space<hbm>>
      %dma_wait3A_75 = arith.constant 0 : i32
      %dma_wait3A_76 = tpu.memref_slice %arg3[%arg0, %add3A_63, %dma_wait3A_75] : memref<2x10240x128xf32, #tpu.memory_space<hbm>> -> memref<1x128x128xf32, #tpu.memory_space<hbm>>
      %dma_wait3A_77 = tpu.memref_squeeze %dma_wait3A_76 : memref<1x128x128xf32, #tpu.memory_space<hbm>> -> memref<128x128xf32, #tpu.memory_space<hbm>>
      tpu.wait_dma2 semaphore(%run_scoped3A : memref<!tpu.dma_semaphore, #tpu.memory_space<semaphore_mem>>) src(%arg5 : memref<128x128xf32, #tpu.memory_space<vmem>>) dst(%dma_wait3A_77 : memref<128x128xf32, #tpu.memory_space<hbm>>)
      tpu.yield
    }) : () -> ()
    %mul3A_64 = arith.constant 640 : i32
    %mul3A_65 = arith.muli %arg1, %mul3A_64 : i32
    %add3A_66 = arith.constant 512 : i32
    %add3A_67 = arith.addi %mul3A_65, %add3A_66 : i32
    "tpu.region"() ({
      %run_scoped3A = tpu.sem_alloc : memref<!tpu.dma_semaphore, #tpu.memory_space<semaphore_mem>>
      %dma_start3A = arith.constant 0 : i32
      %dma_start3A_68 = tpu.memref_slice %arg6[%add3A_67, %dma_start3A] : memref<10240x128xf32, #tpu.memory_space<vmem_shared>> -> memref<128x128xf32, #tpu.memory_space<vmem_shared>>
      %dma_start3A_69 = arith.constant 0 : i32
      %dma_start3A_70 = tpu.memref_slice %arg6[%add3A_67, %dma_start3A_69] : memref<10240x128xf32, #tpu.memory_space<vmem_shared>> -> memref<128x128xf32, #tpu.memory_space<vmem_shared>>
      tpu.enqueue_dma source(%dma_start3A_70 : memref<128x128xf32, #tpu.memory_space<vmem_shared>>) target(%arg5 : memref<128x128xf32, #tpu.memory_space<vmem>>) target_semaphore(%run_scoped3A : memref<!tpu.dma_semaphore, #tpu.memory_space<semaphore_mem>>)
      %dma_wait3A = arith.constant 0 : i32
      %dma_wait3A_71 = tpu.memref_slice %arg6[%add3A_67, %dma_wait3A] : memref<10240x128xf32, #tpu.memory_space<vmem_shared>> -> memref<128x128xf32, #tpu.memory_space<vmem_shared>>
      %dma_wait3A_72 = arith.constant 0 : i32
      %dma_wait3A_73 = tpu.memref_slice %arg6[%add3A_67, %dma_wait3A_72] : memref<10240x128xf32, #tpu.memory_space<vmem_shared>> -> memref<128x128xf32, #tpu.memory_space<vmem_shared>>
      tpu.wait_dma2 semaphore(%run_scoped3A : memref<!tpu.dma_semaphore, #tpu.memory_space<semaphore_mem>>) src(%dma_wait3A_73 : memref<128x128xf32, #tpu.memory_space<vmem_shared>>) dst(%arg5 : memref<128x128xf32, #tpu.memory_space<vmem>>)
      tpu.yield
    }) : () -> ()
    "tpu.region"() ({
      %run_scoped3A = tpu.sem_alloc : memref<!tpu.dma_semaphore, #tpu.memory_space<semaphore_mem>>
      %dma_start3A = arith.constant 0 : i32
      %dma_start3A_68 = tpu.memref_slice %arg3[%arg0, %add3A_67, %dma_start3A] : memref<2x10240x128xf32, #tpu.memory_space<hbm>> -> memref<1x128x128xf32, #tpu.memory_space<hbm>>
      %dma_start3A_69 = tpu.memref_squeeze %dma_start3A_68 : memref<1x128x128xf32, #tpu.memory_space<hbm>> -> memref<128x128xf32, #tpu.memory_space<hbm>>
      %dma_start3A_70 = arith.constant 0 : i32
      %dma_start3A_71 = tpu.memref_slice %arg3[%arg0, %add3A_67, %dma_start3A_70] : memref<2x10240x128xf32, #tpu.memory_space<hbm>> -> memref<1x128x128xf32, #tpu.memory_space<hbm>>
      %dma_start3A_72 = tpu.memref_squeeze %dma_start3A_71 : memref<1x128x128xf32, #tpu.memory_space<hbm>> -> memref<128x128xf32, #tpu.memory_space<hbm>>
      tpu.enqueue_dma source(%arg5 : memref<128x128xf32, #tpu.memory_space<vmem>>) target(%dma_start3A_72 : memref<128x128xf32, #tpu.memory_space<hbm>>) target_semaphore(%run_scoped3A : memref<!tpu.dma_semaphore, #tpu.memory_space<semaphore_mem>>)
      %dma_wait3A = arith.constant 0 : i32
      %dma_wait3A_73 = tpu.memref_slice %arg3[%arg0, %add3A_67, %dma_wait3A] : memref<2x10240x128xf32, #tpu.memory_space<hbm>> -> memref<1x128x128xf32, #tpu.memory_space<hbm>>
      %dma_wait3A_74 = tpu.memref_squeeze %dma_wait3A_73 : memref<1x128x128xf32, #tpu.memory_space<hbm>> -> memref<128x128xf32, #tpu.memory_space<hbm>>
      %dma_wait3A_75 = arith.constant 0 : i32
      %dma_wait3A_76 = tpu.memref_slice %arg3[%arg0, %add3A_67, %dma_wait3A_75] : memref<2x10240x128xf32, #tpu.memory_space<hbm>> -> memref<1x128x128xf32, #tpu.memory_space<hbm>>
      %dma_wait3A_77 = tpu.memref_squeeze %dma_wait3A_76 : memref<1x128x128xf32, #tpu.memory_space<hbm>> -> memref<128x128xf32, #tpu.memory_space<hbm>>
      tpu.wait_dma2 semaphore(%run_scoped3A : memref<!tpu.dma_semaphore, #tpu.memory_space<semaphore_mem>>) src(%arg5 : memref<128x128xf32, #tpu.memory_space<vmem>>) dst(%dma_wait3A_77 : memref<128x128xf32, #tpu.memory_space<hbm>>)
      tpu.yield
    }) : () -> ()
    return
  }
}

module attributes {stable_mosaic.version = 14 : i64} {
  func.func @_tc_root_body(%arg0: i32, %arg1: memref<512x128xf32, #tpu.memory_space<vmem>>, %arg2: memref<128x128xf32, #tpu.memory_space<vmem>>, %arg3: memref<1x128xf32, #tpu.memory_space<vmem>>, %arg4: memref<512x128xf32, #tpu.memory_space<vmem>>) attributes {dimension_semantics = [#tpu.dimension_semantics<arbitrary>], iteration_bounds = array<i64: 20>, scalar_prefetch = 0 : i64, scratch_operands = 0 : i64, tpu.core_type = #tpu.core_type<tc>, window_params = [{transform_indices = @transform_0, window_bounds = array<i64: 512, 128>}, {pipeline_mode = #tpu.pipeline_mode<synchronous>, transform_indices = @transform_1, window_bounds = array<i64: 128, 128>}, {pipeline_mode = #tpu.pipeline_mode<synchronous>, transform_indices = @transform_2, window_bounds = array<i64: 1, 128>}, {transform_indices = @transform_3, window_bounds = array<i64: 512, 128>}]} {
    %get3A = arith.constant 0 : index
    %get3A_0 = arith.constant 0 : index
    %get3A_1 = vector.load %arg1[%get3A, %get3A_0] : memref<512x128xf32, #tpu.memory_space<vmem>>, vector<512x128xf32>
    %get3A_2 = arith.constant 0 : index
    %get3A_3 = arith.constant 0 : index
    %get3A_4 = vector.load %arg2[%get3A_2, %get3A_3] : memref<128x128xf32, #tpu.memory_space<vmem>>, vector<128x128xf32>
    %dot_general3A = arith.constant dense<0.000000e+00> : vector<512x128xf32>
    %dot_general3A_5 = tpu.matmul %get3A_1, %get3A_4, %dot_general3A {dimension_numbers = #tpu.dot_dimension_numbers<[1], [0], [0], [1], [0, 0, 1, 1], [], []>, transpose_lhs_hint = false} : vector<512x128xf32>, vector<128x128xf32>, vector<512x128xf32> -> vector<512x128xf32>
    %get3A_6 = arith.constant 0 : index
    %get3A_7 = arith.constant 0 : index
    %get3A_8 = vector.load %arg3[%get3A_6, %get3A_7] : memref<1x128xf32, #tpu.memory_space<vmem>>, vector<1x128xf32>
    %add3A = vector.broadcast %get3A_8 : vector<1x128xf32> to vector<512x128xf32>
    %add3A_9 = arith.addf %dot_general3A_5, %add3A : vector<512x128xf32>
    %swap3A = arith.constant 0 : index
    %swap3A_10 = arith.constant 0 : index
    %swap3A_11 = vector.load %arg4[%swap3A, %swap3A_10] : memref<512x128xf32, #tpu.memory_space<vmem>>, vector<512x128xf32>
    tpu.vector_store %arg4[%swap3A, %swap3A_10], %add3A_9 {strides = array<i32>} : memref<512x128xf32, #tpu.memory_space<vmem>>, vector<512x128xf32>,
    return
  }
  func.func @transform_0(%arg0: i32) -> (i32, i32) {
    %c0_i32 = arith.constant 0 : i32
    %c0_i32_0 = arith.constant 0 : i32
    return %arg0, %c0_i32 : i32, i32
  }
  func.func @transform_1(%arg0: i32) -> (i32, i32) {
    %c0_i32 = arith.constant 0 : i32
    %c0_i32_0 = arith.constant 0 : i32
    %c0_i32_1 = arith.constant 0 : i32
    return %c0_i32, %c0_i32_0 : i32, i32
  }
  func.func @transform_2(%arg0: i32) -> (i32, i32) {
    %c0_i32 = arith.constant 0 : i32
    %c0_i32_0 = arith.constant 0 : i32
    %c0_i32_1 = arith.constant 0 : i32
    return %c0_i32, %c0_i32_0 : i32, i32
  }
  func.func @transform_3(%arg0: i32) -> (i32, i32) {
    %c0_i32 = arith.constant 0 : i32
    %c0_i32_0 = arith.constant 0 : i32
    return %arg0, %c0_i32 : i32, i32
  }
}

module attributes {stable_mosaic.version = 14 : i64} {
  func.func @_tc_body(%arg0: i32, %arg1: memref<2x512x128xf32, #tpu.memory_space<vmem>>, %arg2: memref<2x512x128xf32, #tpu.memory_space<vmem>>, %arg3: memref<512x128xf32, #tpu.memory_space<vmem>>, %arg4: memref<128x128xf32, #tpu.memory_space<vmem>>, %arg5: memref<512x128xf32, #tpu.memory_space<vmem>>) attributes {dimension_semantics = [#tpu.dimension_semantics<arbitrary>], iteration_bounds = array<i64: 20>, scalar_prefetch = 0 : i64, scratch_operands = 0 : i64, tpu.core_type = #tpu.core_type<tc>, window_params = [{transform_indices = @transform_0, window_bounds = array<i64: 2, 512, 128>}, {transform_indices = @transform_1, window_bounds = array<i64: 2, 512, 128>}, {transform_indices = @transform_2, window_bounds = array<i64: 512, 128>}, {pipeline_mode = #tpu.pipeline_mode<synchronous>, transform_indices = @transform_3, window_bounds = array<i64: 128, 128>}, {transform_indices = @transform_4, window_bounds = array<i64: 512, 128>}]} {
    %get3A = arith.constant 0 : index
    %get3A_0 = arith.constant 0 : index
    %get3A_1 = arith.constant 0 : index
    %get3A_2 = vector.load %arg1[%get3A, %get3A_0, %get3A_1] : memref<2x512x128xf32, #tpu.memory_space<vmem>>, vector<1x512x128xf32>
    %get3A_3 = vector.shape_cast %get3A_2 : vector<1x512x128xf32> to vector<512x128xf32>
    %get3A_4 = arith.constant 1 : index
    %get3A_5 = arith.constant 0 : index
    %get3A_6 = arith.constant 0 : index
    %get3A_7 = vector.load %arg1[%get3A_4, %get3A_5, %get3A_6] : memref<2x512x128xf32, #tpu.memory_space<vmem>>, vector<1x512x128xf32>
    %get3A_8 = vector.shape_cast %get3A_7 : vector<1x512x128xf32> to vector<512x128xf32>
    %add3A = arith.addf %get3A_3, %get3A_8 : vector<512x128xf32>
    %get3A_9 = arith.constant 0 : index
    %get3A_10 = arith.constant 0 : index
    %get3A_11 = arith.constant 0 : index
    %get3A_12 = vector.load %arg2[%get3A_9, %get3A_10, %get3A_11] : memref<2x512x128xf32, #tpu.memory_space<vmem>>, vector<1x512x128xf32>
    %get3A_13 = vector.shape_cast %get3A_12 : vector<1x512x128xf32> to vector<512x128xf32>
    %get3A_14 = arith.constant 1 : index
    %get3A_15 = arith.constant 0 : index
    %get3A_16 = arith.constant 0 : index
    %get3A_17 = vector.load %arg2[%get3A_14, %get3A_15, %get3A_16] : memref<2x512x128xf32, #tpu.memory_space<vmem>>, vector<1x512x128xf32>
    %get3A_18 = vector.shape_cast %get3A_17 : vector<1x512x128xf32> to vector<512x128xf32>
    %add3A_19 = arith.addf %get3A_13, %get3A_18 : vector<512x128xf32>
    %reduce_sum3A = arith.constant dense<0.000000e+00> : vector<512xf32>
    %reduce_sum3A_20 = vector.multi_reduction <add>, %add3A_19, %reduce_sum3A [1] : vector<512x128xf32> to vector<512xf32>
    %broadcast_in_dim3A = vector.shape_cast %reduce_sum3A_20 : vector<512xf32> to vector<512x1xf32>
    %max3A = arith.constant 1.000000e+00 : f32
    %max3A_21 = vector.broadcast %max3A : f32 to vector<512x1xf32>
    %max3A_22 = arith.maximumf %broadcast_in_dim3A, %max3A_21 : vector<512x1xf32>
    %div3A = vector.broadcast %max3A_22 : vector<512x1xf32> to vector<512x128xf32>
    %div3A_23 = arith.divf %add3A, %div3A : vector<512x128xf32>
    %get3A_24 = arith.constant 0 : index
    %get3A_25 = arith.constant 0 : index
    %get3A_26 = vector.load %arg4[%get3A_24, %get3A_25] : memref<128x128xf32, #tpu.memory_space<vmem>>, vector<128x128xf32>
    %dot_general3A = arith.constant dense<0.000000e+00> : vector<512x128xf32>
    %dot_general3A_27 = tpu.matmul %div3A_23, %get3A_26, %dot_general3A {dimension_numbers = #tpu.dot_dimension_numbers<[1], [0], [0], [1], [0, 0, 1, 1], [], []>, transpose_lhs_hint = false} : vector<512x128xf32>, vector<128x128xf32>, vector<512x128xf32> -> vector<512x128xf32>
    %get3A_28 = arith.constant 0 : index
    %get3A_29 = arith.constant 0 : index
    %get3A_30 = vector.load %arg3[%get3A_28, %get3A_29] : memref<512x128xf32, #tpu.memory_space<vmem>>, vector<512x128xf32>
    %add3A_31 = arith.addf %dot_general3A_27, %get3A_30 : vector<512x128xf32>
    %swap3A = arith.constant 0 : index
    %swap3A_32 = arith.constant 0 : index
    %swap3A_33 = vector.load %arg5[%swap3A, %swap3A_32] : memref<512x128xf32, #tpu.memory_space<vmem>>, vector<512x128xf32>
    tpu.vector_store %arg5[%swap3A, %swap3A_32], %add3A_31 {strides = array<i32>} : memref<512x128xf32, #tpu.memory_space<vmem>>, vector<512x128xf32>,
    return
  }
  func.func @transform_0(%arg0: i32) -> (i32, i32, i32) {
    %c0_i32 = arith.constant 0 : i32
    %c0_i32_0 = arith.constant 0 : i32
    %c0_i32_1 = arith.constant 0 : i32
    return %c0_i32, %arg0, %c0_i32_0 : i32, i32, i32
  }
  func.func @transform_1(%arg0: i32) -> (i32, i32, i32) {
    %c0_i32 = arith.constant 0 : i32
    %c0_i32_0 = arith.constant 0 : i32
    %c0_i32_1 = arith.constant 0 : i32
    return %c0_i32, %arg0, %c0_i32_0 : i32, i32, i32
  }
  func.func @transform_2(%arg0: i32) -> (i32, i32) {
    %c0_i32 = arith.constant 0 : i32
    %c0_i32_0 = arith.constant 0 : i32
    return %arg0, %c0_i32 : i32, i32
  }
  func.func @transform_3(%arg0: i32) -> (i32, i32) {
    %c0_i32 = arith.constant 0 : i32
    %c0_i32_0 = arith.constant 0 : i32
    %c0_i32_1 = arith.constant 0 : i32
    return %c0_i32, %c0_i32_0 : i32, i32
  }
  func.func @transform_4(%arg0: i32) -> (i32, i32) {
    %c0_i32 = arith.constant 0 : i32
    %c0_i32_0 = arith.constant 0 : i32
    return %arg0, %c0_i32 : i32, i32
  }
}

</mosaic_0001>

<sc_bundles>
// kernel: kernel.6.cloned.1.call-start
scs
__scs_entry_jumppad:
0x0: {  	(pc) =	sbr.rel $0x88, $3  }
0x1: {  	(tag) =	ssettag $0x0;
	lr =	simm.s32 $0x1  }
0x2: {  	[smem:$0x3F9C] =	sst lr;
	_ =	strace $0xD0000000  }
0x3: {  	_ = 	snop  }
0x4: {  	_ = 	snop  }
0x5: {  	_ = 	snop  }
0x6: {  	_ = 	snop  }
0x7: {  	_ = 	snop  }
__scs_overlays_trampoline_lowered:
0x8: {  	[smem:$0x3FAB] =	sst s0  }
0x9: {  	[smem:$0x3FAC] =	sst s1  }
0xa: {  	[smem:$0x3FAD] =	sst s2  }
0xb: {  	[smem:$0x3FAE] =	sst s3  }
0xc: {  	[smem:$0x3FAF] =	sst s4  }
0xd: {  	[smem:$0x3FB0] =	sst s5  }
0xe: {  	[smem:$0x3FB1] =	sst s6  }
0xf: {  	[smem:$0x3FB2] =	sst s7  }
0x10: {  	[smem:$0x3FB3] =	sst s8  }
0x11: {  	[smem:$0x3FB4] =	sst s9;
	s0 =	simm.s32 @!p0 $0x0  }
0x12: {  	s1 =	sld [smem:$0x3F9A];
	s0 =	simm.s32 @p0 $0x1  }
0x13: {  	[smem:$0x3FB5] =	sst s0;
	s0 =	simm.s32 @!p1 $0x0  }
0x14: {  	s2 =	sld [smem:$0x3F99];
	s0 =	simm.s32 @p1 $0x1  }
0x15: {  	[smem:$0x3FB6] =	sst s0;
	s0 =	simm.s32 @!p2 $0x0  }
0x16: {  	s3 =	sld [smem:$0x3FDB];
	s0 =	simm.s32 @p2 $0x1  }
0x17: {  	s4 =	simm.s32 $0x1BF5;
	[smem:$0x3FB8] =	sst s0  }
0x18: {  	s0 =	sld [smem:$0x3F9B];
	_ =	swait.ge [sflag:s4], $0x0  }
0x19: {  	s7 =	sld [smem:$0x3F9C]  }
0x1a: {  	s8 =	sadd.s32 $0xFFFFE003, lr  }
0x1b: {  	s9 =	sadd.s32 $0xFFFFFEF7, lr;
	s5 =	simm.s32 $0xFFFFFFFF;
	p2 =	slt.u32 s8, $0xFFFFF086  }
0x1c: {  	p1 =	slt.u32 s9, $0xF7A;
	s5 =	simm.s32 @!p2 $0x0  }
0x1d: {  	s5 =	simm.s32 @p1 $0x1;
	p0 =	seq.s32 s7, s2  }
0x1e: {  	s7 =	smul.u32 @!p0 $0xF7A, s2;
	p2 =	seq.s32 @!p0 s5, $0x0  }
0x1f: {  	s9 =	smul.u32 $0xF7A, s1;
	s8 =	simm.s32 @!p0 $0x1BF5;
	p2 =	por !p2, p0  }
0x20: {  	[sflag:s8] =	ssyncset.s32 @!p0 $0xFFFFF086;
	s6 =	sadd.s32 @!p0 s3, s7;
	s7 =	simm.s32 @!p0 $0x108  }
0x21: {  	s3 =	sadd.s32 s3, s9;
	s6 =	sadd.s32 @!p0 $0x88, s6;
	s7 =	simm.s32 @p2 $0x1082  }
0x22: {  	[simem:s7], [sflag:s8] =	dma.local @!p0 [hbm:s6], $0xF7A  }
0x23: {  	s9 =	sor.u32 $0xD0000000, s2;
	s6 =	simm.s32 $0x108;
	_ =	swait.ge @!p0 [sflag:s8], $0x0  }
0x24: {  	s3 =	sadd.s32 $0x88, s3;
	s6 =	simm.s32 @!p1 $0x1082;
	[sflag:s4] =	ssyncset.s32 $0xFFFFF086  }
0x25: {  	[simem:s6], [sflag:s4] =	dma.local [hbm:s3], $0xF7A  }
0x26: {  	[smem:$0x3F9C] =	sst s1;
	(tag) =	ssettag s2;
	_ =	strace s9  }
0x27: {  	s1 =	sld [smem:$0x3FAC]  }
0x28: {  	s2 =	sld [smem:$0x3FAD]  }
0x29: {  	s4 =	sld [smem:$0x3FAF]  }
0x2a: {  	p0 =	seq.s32 s5, $0x0;
	s5 =	sld [smem:$0x3FB0]  }
0x2b: {  	s6 =	sld [smem:$0x3FB1]  }
0x2c: {  	s7 =	sld [smem:$0x3FB2]  }
0x2d: {  	s3 =	simm.s32 $0x108;
	s8 =	sld [smem:$0x3FB3]  }
0x2e: {  	s3 =	simm.s32 @!p0 $0x1082;
	s9 =	sld [smem:$0x3FB4]  }
0x2f: {  	lr =	sadd.s32 s0, s3;
	s0 =	sld [smem:$0x3FAB]  }
0x30: {  	s3 =	sld [smem:$0x3FAE]  }
0x31: {  	[smem:$0x3FB7] =	sst s10  }
0x32: {  	s10 =	sld [smem:$0x3FB5];
	_ =	sdelay $0x3  }
0x33: {  	p0 =	seq.s32 s10, $0x1;
	s10 =	sld [smem:$0x3FB7];
	_ =	sdelay $0x3  }
0x34: {  	[smem:$0x3FB7] =	sst s10  }
0x35: {  	s10 =	sld [smem:$0x3FB6];
	_ =	sdelay $0x3  }
0x36: {  	p1 =	seq.s32 s10, $0x1;
	s10 =	sld [smem:$0x3FB7];
	_ =	sdelay $0x3  }
0x37: {  	[smem:$0x3FB7] =	sst s10  }
0x38: {  	s10 =	sld [smem:$0x3FB8]  }
0x39: {  	_ = 	snop;
	(pc) =	sbr.ind lr, $3  }
0x3a: {  	_ = 	snop  }
0x3b: {  	_ = 	snop  }
0x3c: {  	p2 =	seq.s32 s10, $0x1;
	s10 =	sld [smem:$0x3FB7]  }
0x3d: {  	_ =	shalt  }
0x3e: {  	_ =	shalt  }
0x3f: {  	_ =	shalt  }
0x40: {  	_ =	shalt  }
0x41: {  	_ =	shalt  }
0x42: {  	_ =	shalt  }
0x43: {  	_ =	shalt  }
0x44: {  	_ =	shalt  }
0x45: {  	_ =	shalt  }
0x46: {  	_ =	shalt  }
0x47: {  	_ =	shalt  }
0x48: {  	_ =	shalt  }
0x49: {  	_ =	shalt  }
0x4a: {  	_ =	shalt  }
0x4b: {  	_ =	shalt  }
0x4c: {  	_ =	shalt  }
0x4d: {  	_ =	shalt  }
0x4e: {  	_ =	shalt  }
0x4f: {  	_ =	shalt  }
0x50: {  	_ =	shalt  }
0x51: {  	_ =	shalt  }
0x52: {  	_ =	shalt  }
0x53: {  	_ =	shalt  }
0x54: {  	_ =	shalt  }
0x55: {  	_ =	shalt  }
0x56: {  	_ =	shalt  }
0x57: {  	_ =	shalt  }
0x58: {  	_ =	shalt  }
0x59: {  	_ =	shalt  }
0x5a: {  	_ =	shalt  }
0x5b: {  	_ =	shalt  }
0x5c: {  	_ =	shalt  }
0x5d: {  	_ =	shalt  }
0x5e: {  	_ =	shalt  }
0x5f: {  	_ =	shalt  }
0x60: {  	_ =	shalt  }
0x61: {  	_ =	shalt  }
0x62: {  	_ =	shalt  }
0x63: {  	_ =	shalt  }
0x64: {  	_ =	shalt  }
0x65: {  	_ =	shalt  }
0x66: {  	_ =	shalt  }
0x67: {  	_ =	shalt  }
0x68: {  	_ =	shalt  }
0x69: {  	_ =	shalt  }
0x6a: {  	_ =	shalt  }
0x6b: {  	_ =	shalt  }
0x6c: {  	_ =	shalt  }
0x6d: {  	_ =	shalt  }
0x6e: {  	_ =	shalt  }
0x6f: {  	_ =	shalt  }
0x70: {  	_ =	shalt  }
0x71: {  	_ =	shalt  }
0x72: {  	_ =	shalt  }
0x73: {  	_ =	shalt  }
0x74: {  	_ =	shalt  }
0x75: {  	_ =	shalt  }
0x76: {  	_ =	shalt  }
0x77: {  	_ =	shalt  }
0x78: {  	_ =	shalt  }
0x79: {  	_ =	shalt  }
0x7a: {  	_ =	shalt  }
0x7b: {  	_ =	shalt  }
0x7c: {  	_ =	shalt  }
0x7d: {  	_ =	shalt  }
0x7e: {  	_ =	shalt  }
0x7f: {  	_ =	shalt  }
0x80: {  	_ =	shalt  }
0x81: {  	_ =	shalt  }
0x82: {  	_ =	shalt  }
0x83: {  	_ =	shalt  }
0x84: {  	_ =	shalt  }
0x85: {  	_ =	shalt  }
0x86: {  	_ =	shalt  }
0x87: {  	_ =	shalt  }
.Lfunc_end0:
.L_simem_size_0:
called_computation_lowered:
.L_overlay_start_0:
0x88: {  	s2 =	sld [smem:$0x3FD9]  }
0x89: {  	s3 =	sld [smem:$0x3FFE];
	_ =	sdelay $0x1  }
0x8a: {  	s1 =	srdreg.scid  }
0x8b: {  	s0 =	sand.u32 $0x1, s1  }
0x8c: {  	s17 =	sshll.u32 s0, $0xA;
	s2 =	sadd.s32 s3, s2  }
0x8d: {  	s2 =	sadd.s32 s2, s17  }
0x8e: {  	[smem:$0x3FC3] =	sst s2  }
0x8f: {  	_ = 	snop  }
0x90: {  	s18 =	sld [smem:$0x3FC9]  }
0x91: {  	s4 =	sld [smem:$0x3FD0];
	(tm) =	ssettm $0x1  }
0x92: {  	s19 =	sld [smem:$0x3FFB];
	_ =	sdelay $0x3  }
0x93: {  	_ =	strace s19  }
0x94: {  	s2 =	sld [smem:$0x3FFC];
	_ =	sdelay $0x3  }
0x95: {  	_ =	strace s2  }
0x96: {  	s2 =	sld [smem:$0x3FFD];
	_ =	sdelay $0x3  }
0x97: {  	_ =	strace s2  }
0x98: {  	_ =	strace $0x8FFFFFFF  }
0x99: {  	s20 =	sld [smem:$0x3FDB];
	_ =	sdelay $0x1  }
0x9a: {  	s5 =	simm.s32 $_scs_section_size  }
0x9b: {  	s6 =	simm.s32 $_size__tile_overlayer_lowered;
	s7 =	simm.s32 $_tile_overlayer_lowered  }
0x9c: {  	s8 =	simm.s32 $0x1BFF;
	s21 =	sshll.u32 s7, $0x1;
	s5 =	sadd.s32 s5, s20  }
0x9d: {  	s22 =	simm.s32 $0x0;
	s6 =	sshll.u32 s6, $0x1;
	s7 =	sadd.s32 s21, s5  }
0x9e: {  	[timem:s22], [sflag:s8] =	dma.local [hbm:s7], s6  }
0x9f: {  	_ =	swait.ge [sflag:s8], s6  }
0xa0: {  	s6 =	ssub.s32 $0x0, s6;
	[sflag:s8] =	ssyncset.done $0x0  }
0xa1: {  	[sflag:s8] =	ssyncadd.s32 s6;
	_ =	sdelay $0x1  }
0xa2: {  	s23 =	simm.s32 $0x1B8B  }
0xa3: {  	_ =	swait.ge [sflag:s23], $0x1  }
0xa4: {  	[sflag:s23] =	ssyncset.done $0x0  }
0xa5: {  	[sflag:s23] =	ssyncadd.s32 $0xFFFFFFFF  }
0xa6: {  	s6 =	sld [smem:$0x0]  }
0xa7: {  	s7 =	sand.u32 $0xFFFFFFFE, s1  }
0xa8: {  	p0 =	sne.s32 s1, s7  }
0xa9: {  	s7 =	sshll.u32 @p0 s7, $0xE  }
0xaa: {  	s7 =	sadd.s32 @p0 $0x11B8D, s7;
	s8 =	sshll.u32 @p0 s6, $0x11  }
0xab: {  	s7 =	sor.u32 @p0 s8, s7  }
0xac: {  	[sflag:s7] =	ssyncadd.remote.s32 @p0 $0x1;
	_ =	sdelay $0x1  }
0xad: {  	s7 =	simm.s32 @p0 $0x1B8D  }
0xae: {  	_ =	swait.eq @p0 [sflag:s7], $0x1  }
0xaf: {  	[sflag:s7] =	ssyncadd.s32 @p0 $0xFFFFFFFF  }
0xb0: {  	s8 =	sshll.u32 @!p0 s1, $0xE  }
0xb1: {  	s8 =	sor.u32 @!p0 $0x4000, s8;
	s7 =	simm.s32 @!p0 $0x1B8D  }
0xb2: {  	s6 =	sshll.u32 @!p0 s6, $0x11;
	s8 =	sadd.s32 @!p0 $0x11B8D, s8;
	_ =	swait.eq @!p0 [sflag:s7], $0x1  }
0xb3: {  	s6 =	sor.u32 @!p0 s6, s8;
	[sflag:s7] =	ssyncadd.s32 @!p0 $0xFFFFFFFF  }
0xb4: {  	s25 =	simm.s32 $0x1B8E;
	s24 =	sld [smem:$0x3FFE];
	[sflag:s6] =	ssyncadd.remote.s32 @!p0 $0x1  }
0xb5: {  	s26 =	simm.s32 $execute0_lowered;
	[smem:$0x3FD2] =	sst s25  }
0xb6: {  	s7 =	sshll.u32 s26, $0x1;
	_ =	strace $0x80000049;
	[dreg:$0x1] =	wrdreg $0xFFFFFFFF  }
0xb7: {  	s28 =	simm.s32 $_size_execute0_lowered;
	s5 =	sadd.s32 s5, s7;
	[dreg:$0x0] =	wrdreg $0x0  }
0xb8: {  	s7 =	sshll.u32 s28, $0x1;
	[dreg:$0x2] =	wrdreg s5  }
0xb9: {  	[dreg:$0x3] =	wrdreg s7  }
0xba: {  	[dreg:$0x4] =	wrdreg $0xC0  }
0xbb: {  	_ =	task [dreg:s22], $0x5FFFF  }
0xbc: {  	[dreg:$0x1] =	wrdreg $0xFFFFFFFF  }
0xbd: {  	[dreg:$0x0] =	wrdreg $0x60  }
0xbe: {  	[dreg:$0x2] =	wrdreg s18  }
0xbf: {  	[dreg:$0x3] =	wrdreg s4  }
0xc0: {  	[dreg:$0x4] =	wrdreg s24  }
0xc1: {  	[dreg:$0x5] =	wrdreg $0x41000  }
0xc2: {  	[dreg:$0x6] =	wrdreg $0x9  }
0xc3: {  	_ =	task.clear_ibuf [dreg:s22], $0x7FFFF;
	_ =	strace $0x90000049  }
0xc4: {  	s29 =	simm.s32 $0x9;
	_ =	strace $0x8000004B  }
0xc5: {  	_ =	swait.ge [sflag:s29], $0x1  }
0xc6: {  	[sflag:s29] =	ssyncadd.s32 $0xFFFFFFFF  }
0xc7: {  	_ =	strace $0x9000004B  }
0xc8: {  	_ =	sfence  }
0xc9: {  	s30 =	sld [smem:$0x0];
	_ =	sdelay $0x2  }
0xca: {  	s31 =	sshll.u32 s1, $0xD;
	s1 =	sshrl.u32 s1, $0x2  }
0xcb: {  	s4 =	sand.u32 $0x4000, s31;
	s1 =	sadd.s32 s1, s30  }
0xcc: {  	s0 =	sor.u32 s4, s0;
	s1 =	sshll.u32 s1, $0x11  }
0xcd: {  	s0 =	sor.u32 s1, s0  }
0xce: {  	s0 =	sadd.s32 $0x8F2B, s0  }
0xcf: {  	[sflag:s0] =	ssyncadd.remote.s32 $0x1  }
0xd0: {  	_ =	sfence.sel $0xFFFF  }
0xd1: {  	[dreg:$0x0] =	wrdreg $0xFFFFFFFF;
	(pc) =	sbr.abs _section_cstart, $3  }
0xd2: {  	[dreg:$0x1] =	wrdreg $0xFFFFFFFF  }
0xd3: {  	_ =	task.clear_ibuf [dreg:s22], $0x2FFFF;
	_ =	strace $0x9FFFFFFF  }
0xd4: {  	(tm) =	ssettm $0x7FFFFFFF  }
0xd5: {  	_ =	shalt  }
tec
execute0_lowered:
.L_overlay_start_1:
0x0: {  	(tag) =	ssettag $0x1  }
0x1: {  	s1 =	rddreg [dreg:$0x0]  }
0x2: {  	s2 =	rddreg [dreg:$0x1]  }
0x3: {  	s7 =	rddreg [dreg:$0x2]  }
0x4: {  	s3 =	rddreg [dreg:$0x3]  }
0x5: {  	s0 =	rddreg [dreg:$0x4]  }
0x6: {  	s5 =	simm.s32 $0x0;
	s6 =	srdreg.scid;
	s4 =	stileid.u32  }
0x7: {  	s22 =	simm.s32 $0x1;
	s23 =	simm.s32 $0x0;
	[smem:$0x7FF] =	sst s5  }
0x8: {  	s8 =	sand.u32 $0x1, s6;
	s6 =	sadd.s32 $0x5B000, s7;
	s10 =	smul.u32 $0x50000, s4  }
0x9: {  	s17 =	sadd.s32 $0x65000, s7;
	s11 =	smul.u32 $0x14000, s4;
	_ =	strace $0x8000004A  }
0xa: {  	s9 =	ssub.s32 $0x2, s8;
	s30 =	sshll.u32 s8, $0x4;
	s19 =	smul.u32 $0x140000, s8  }
0xb: {  	s29 =	sshrl.u32 s9, $0x1;
	s31 =	sshrl.u32 s10, $0x2;
	s12 =	sor.u32 s4, s30  }
0xc: {  	s13 =	sadd.s32 $0x4000, s11;
	s15 =	sadd.s32 $0x8000, s11;
	s16 =	sadd.s32 $0xC000, s11  }
0xd: {  	s20 =	sadd.s32 $0x10000, s11;
	s18 =	ssub.s32 s9, s29;
	s7 =	sadd.s32 s31, s3  }
0xe: {  	s8 =	sadd.s32 s13, s3;
	s9 =	sadd.s32 s15, s3;
	s10 =	sadd.s32 s16, s3  }
0xf: {  	s14 =	sadd.s32 s11, s19;
	s13 =	sadd.s32 s19, s13;
	s11 =	sadd.s32 s20, s3  }
0x10: {  	s12 =	smul.u32 $0x2800, s12;
	s15 =	sadd.s32 s19, s15;
	s16 =	sadd.s32 s19, s16  }
0x11: {  	s19 =	sadd.s32 s19, s20;
	s20 =	simm.s32 $0x2;
	s14 =	sshrl.u32 s14, $0x3  }
0x12: {  	s21 =	sshrl.u32 s13, $0x3;
	s15 =	sshrl.u32 s15, $0x3;
	s16 =	sshrl.u32 s16, $0x3  }
0x13: {  	s19 =	sshrl.u32 s19, $0x3;
	s18 =	smax.u32 s18, $0x1;
	s13 =	sadd.s32 s17, s14  }
0x14: {  	s14 =	sadd.s32 s17, s21;
	s15 =	sadd.s32 s17, s15;
	s16 =	sadd.s32 s17, s16  }
0x15: {  	v0 =	vimm.f32 $0.0e+00;
	s17 =	sadd.s32 s17, s19;
	s19 =	simm.s32 $0x100;
	s21 =	simm.s32 $0x80  }
.LBB2_1:
0x16: {  	s24 =	simm.s32 $0x0;
	s25 =	simm.s32 $0x200  }
.LBB2_2:
0x17: {  	p0 =	sne.s32 s25, $0xFE00;
	[tilespmem:s24+$0x170] =	vst v0  }
0x18: {  	[tilespmem:s24+$0x100] =	vst v0  }
0x19: {  	[tilespmem:s24+$0x110] =	vst v0  }
.Ltmp0:
0x1a: {  	[tilespmem:s24+$0x120] =	vst v0;
	(pc) =	sbr.rel @p0 .LBB2_2-.Ltmp0, $4  }
0x1b: {  	[tilespmem:s24+$0x130] =	vst v0  }
0x1c: {  	[tilespmem:s24+$0x140] =	vst v0  }
0x1d: {  	[tilespmem:s24+$0x150] =	vst v0  }
0x1e: {  	[tilespmem:s24+$0x160] =	vst v0;
	s24 =	sshra.s32 s25, $0x2;
	s25 =	sadd.s32 $0x200, s25  }
0x1f: {  	[tilespmem:s24+$0x170] =	vst v0  }
0x20: {  	[tilespmem:s24+$0x100] =	vst v0  }
0x21: {  	[tilespmem:s24+$0x110] =	vst v0  }
0x22: {  	[tilespmem:s24+$0x120] =	vst v0  }
0x23: {  	[tilespmem:s24+$0x130] =	vst v0  }
0x24: {  	[tilespmem:s24+$0x140] =	vst v0  }
0x25: {  	[tilespmem:s24+$0x150] =	vst v0  }
0x26: {  	[tilespmem:s24+$0x160] =	vst v0  }
0x27: {  	[spmem:s7] =	stream.linear.scatter [tilespmem:s19], [sflag:$0x2], $0x4000, $0x38;
	[tilespmem:$0x18100] =	vst v63  }
0x28: {  	_ =	swait.ge [sflag:s20], $0x4000  }
0x29: {  	[sflag:s20] =	ssyncset.done $0x0  }
0x2a: {  	[sflag:s20] =	ssyncadd.s32 $0xFFFFC000  }
0x2b: {  	[spmem:s8] =	stream.linear.scatter [tilespmem:s19], [sflag:$0x2], $0x4000, $0x38;
	[tilespmem:$0x18100] =	vst v63  }
0x2c: {  	_ =	swait.ge [sflag:s20], $0x4000  }
0x2d: {  	[sflag:s20] =	ssyncset.done $0x0  }
0x2e: {  	[sflag:s20] =	ssyncadd.s32 $0xFFFFC000  }
0x2f: {  	[spmem:s9] =	stream.linear.scatter [tilespmem:s19], [sflag:$0x2], $0x4000, $0x38;
	[tilespmem:$0x18100] =	vst v63  }
0x30: {  	_ =	swait.ge [sflag:s20], $0x4000  }
0x31: {  	[sflag:s20] =	ssyncset.done $0x0  }
0x32: {  	[sflag:s20] =	ssyncadd.s32 $0xFFFFC000  }
0x33: {  	[spmem:s10] =	stream.linear.scatter [tilespmem:s19], [sflag:$0x2], $0x4000, $0x38;
	[tilespmem:$0x18100] =	vst v63  }
0x34: {  	_ =	swait.ge [sflag:s20], $0x4000  }
0x35: {  	s28 =	simm.s32 $0x0;
	[sflag:s20] =	ssyncset.done $0x0  }
0x36: {  	s25 =	sand.u32 $0x3C00, s28;
	[sflag:s20] =	ssyncadd.s32 $0xFFFFC000  }
0x37: {  	[spmem:s11] =	stream.linear.scatter [tilespmem:s19], [sflag:$0x2], $0x4000, $0x38;
	[tilespmem:$0x18100] =	vst v63  }
0x38: {  	s24 =	sand.u32 $0x380, s28;
	s25 =	sadd.s32 s12, s25;
	_ =	swait.ge [sflag:s20], $0x4000  }
0x39: {  	s24 =	sor.u32 s24, s25;
	[sflag:s20] =	ssyncset.done $0x0  }
0x3a: {  	s24 =	sshrl.u32 s24, $0x3;
	[sflag:s20] =	ssyncadd.s32 $0xFFFFC000  }
0x3b: {  	s29 =	sadd.s32 s2, s24;
	[bflag:$0x0] =	sbarrier.arrive $0xFFFF  }
0x3c: {  	[tilespmem:s5], [sflag:$0x2] =	stream.linear.gather [hbm4b:s29+s5], $0x80, $0x38;
	[tilespmem:$0x18100] =	vst v63  }
0x3d: {  	_ =	swait.ge [sflag:s20], $0x80  }
0x3e: {  	[sflag:s20] =	ssyncset.done $0x0  }
0x3f: {  	s24 =	sadd.s32 s6, s24;
	[sflag:s20] =	ssyncadd.s32 $0xFFFFFF80  }
0x40: {  	[tilespmem:s21], [sflag:$0x2] =	stream.linear.gather [hbm4b:s24+s5], $0x80, $0x38;
	[tilespmem:$0x18100] =	vst v63  }
0x41: {  	_ =	swait.ge [sflag:s20], $0x80  }
0x42: {  	[sflag:s20] =	ssyncset.done $0x0  }
0x43: {  	[sflag:s20] =	ssyncadd.s32 $0xFFFFFF80  }
0x44: {  	[tilespmem:s19], [sflag:$0x1] =	stream.indirect.gather [hbm4b:s1+s21], $0x80, s5, s21, $0xb8;
	[tilespmem:$0x18100] =	vst v63  }
0x45: {  	_ =	swait.ge [sflag:s22], $0x4000  }
0x46: {  	s30 =	simm.s32 $0x80;
	[sflag:s22] =	ssyncset.done $0x0  }
0x47: {  	s31 =	sand.u32 $0x3C00, s30;
	[sflag:s22] =	ssyncadd.s32 $0xFFFFC000  }
0x48: {  	[spmem:s3] =	stream.indirect.scatter.add.f32 [tilespmem:s19], [sflag:$0x2], $0x80, s21, s21, $0xb8;
	[tilespmem:$0x18100] =	vst v63  }
0x49: {  	s26 =	sand.u32 $0x380, s30;
	s25 =	sadd.s32 s12, s31;
	_ =	swait.ge [sflag:s20], $0x4000  }
0x4a: {  	s25 =	sor.u32 s26, s25;
	s24 =	simm.s32 $0x100;
	[sflag:s20] =	ssyncset.done $0x0  }
.LBB2_4:
0x4b: {  	s25 =	sshrl.u32 s25, $0x3  }
0x4c: {  	[sflag:s20] =	ssyncadd.s32 $0xFFFFC000;
	s26 =	smov.u32 s24;
	s28 =	sadd.s32 $0x80, s24  }
0x4d: {  	p0 =	sne.s32 s24, $0x2700;
	s24 =	sadd.s32 s2, s25  }
0x4e: {  	[tilespmem:s5], [sflag:$0x2] =	stream.linear.gather [hbm4b:s24+s5], $0x80, $0x38;
	[tilespmem:$0x18100] =	vst v63  }
0x4f: {  	_ =	swait.ge [sflag:s20], $0x80  }
0x50: {  	[sflag:s20] =	ssyncset.done $0x0  }
0x51: {  	s24 =	sadd.s32 s6, s25;
	[sflag:s20] =	ssyncadd.s32 $0xFFFFFF80  }
0x52: {  	[tilespmem:s21], [sflag:$0x2] =	stream.linear.gather [hbm4b:s24+s5], $0x80, $0x38;
	[tilespmem:$0x18100] =	vst v63  }
0x53: {  	_ =	swait.ge [sflag:s20], $0x80  }
0x54: {  	[sflag:s20] =	ssyncset.done $0x0  }
0x55: {  	[sflag:s20] =	ssyncadd.s32 $0xFFFFFF80  }
0x56: {  	[tilespmem:s19], [sflag:$0x1] =	stream.indirect.gather [hbm4b:s1+s21], $0x80, s5, s21, $0xb8;
	[tilespmem:$0x18100] =	vst v63  }
0x57: {  	_ =	swait.ge [sflag:s22], $0x4000  }
.Ltmp1:
0x58: {  	[sflag:s22] =	ssyncset.done $0x0;
	(pc) =	sbr.rel @p0 .LBB2_4-.Ltmp1, $4  }
0x59: {  	s24 =	sand.u32 $0x3C00, s26;
	[sflag:s22] =	ssyncadd.s32 $0xFFFFC000  }
0x5a: {  	[spmem:s3] =	stream.indirect.scatter.add.f32 [tilespmem:s19], [sflag:$0x2], $0x80, s21, s21, $0xb8;
	[tilespmem:$0x18100] =	vst v63  }
0x5b: {  	s25 =	sand.u32 $0x380, s26;
	s24 =	sadd.s32 s12, s24;
	_ =	swait.ge [sflag:s20], $0x4000  }
0x5c: {  	s25 =	sor.u32 s25, s24;
	s24 =	smov.u32 s28;
	[sflag:s20] =	ssyncset.done $0x0  }
0x5d: {  	s24 =	sshrl.u32 s25, $0x3  }
0x5e: {  	[sflag:s20] =	ssyncadd.s32 $0xFFFFC000;
	s25 =	sadd.s32 s2, s24  }
0x5f: {  	[tilespmem:s5], [sflag:$0x2] =	stream.linear.gather [hbm4b:s25+s5], $0x80, $0x38;
	[tilespmem:$0x18100] =	vst v63  }
0x60: {  	_ =	swait.ge [sflag:s20], $0x80  }
0x61: {  	[sflag:s20] =	ssyncset.done $0x0  }
0x62: {  	s24 =	sadd.s32 s6, s24;
	[sflag:s20] =	ssyncadd.s32 $0xFFFFFF80  }
0x63: {  	[tilespmem:s21], [sflag:$0x2] =	stream.linear.gather [hbm4b:s24+s5], $0x80, $0x38;
	[tilespmem:$0x18100] =	vst v63  }
0x64: {  	_ =	swait.ge [sflag:s20], $0x80  }
0x65: {  	[sflag:s20] =	ssyncset.done $0x0  }
0x66: {  	[sflag:s20] =	ssyncadd.s32 $0xFFFFFF80  }
0x67: {  	[tilespmem:s19], [sflag:$0x1] =	stream.indirect.gather [hbm4b:s1+s21], $0x80, s5, s21, $0xb8;
	[tilespmem:$0x18100] =	vst v63  }
0x68: {  	_ =	swait.ge [sflag:s22], $0x4000  }
0x69: {  	[sflag:s22] =	ssyncset.done $0x0  }
0x6a: {  	[sflag:s22] =	ssyncadd.s32 $0xFFFFC000  }
0x6b: {  	[spmem:s3] =	stream.indirect.scatter.add.f32 [tilespmem:s19], [sflag:$0x2], $0x80, s21, s21, $0xb8;
	[tilespmem:$0x18100] =	vst v63  }
0x6c: {  	_ =	swait.ge [sflag:s20], $0x4000  }
0x6d: {  	[sflag:s20] =	ssyncset.done $0x0  }
0x6e: {  	[sflag:s20] =	ssyncadd.s32 $0xFFFFC000  }
0x6f: {  	[bflag:$0x0] =	sbarrier.arrive $0xFFFF  }
0x70: {  	[tilespmem:s19], [sflag:$0x2] =	stream.linear.gather [spmem:s7], $0x4000, $0x38;
	[tilespmem:$0x18100] =	vst v63  }
0x71: {  	_ =	swait.ge [sflag:s20], $0x4000  }
0x72: {  	[sflag:s20] =	ssyncset.done $0x0  }
0x73: {  	[sflag:s20] =	ssyncadd.s32 $0xFFFFC000  }
0x74: {  	[hbm4b:s13+s5] =	stream.linear.scatter [tilespmem:s19], [sflag:$0x2], $0x4000, $0x38;
	[tilespmem:$0x18100] =	vst v63  }
0x75: {  	_ =	swait.ge [sflag:s20], $0x4000  }
0x76: {  	[sflag:s20] =	ssyncset.done $0x0  }
0x77: {  	[sflag:s20] =	ssyncadd.s32 $0xFFFFC000  }
0x78: {  	[tilespmem:s19], [sflag:$0x2] =	stream.linear.gather [spmem:s8], $0x4000, $0x38;
	[tilespmem:$0x18100] =	vst v63  }
0x79: {  	_ =	swait.ge [sflag:s20], $0x4000  }
0x7a: {  	[sflag:s20] =	ssyncset.done $0x0  }
0x7b: {  	[sflag:s20] =	ssyncadd.s32 $0xFFFFC000  }
0x7c: {  	[hbm4b:s14+s5] =	stream.linear.scatter [tilespmem:s19], [sflag:$0x2], $0x4000, $0x38;
	[tilespmem:$0x18100] =	vst v63  }
0x7d: {  	_ =	swait.ge [sflag:s20], $0x4000  }
0x7e: {  	[sflag:s20] =	ssyncset.done $0x0  }
0x7f: {  	[sflag:s20] =	ssyncadd.s32 $0xFFFFC000  }
0x80: {  	[tilespmem:s19], [sflag:$0x2] =	stream.linear.gather [spmem:s9], $0x4000, $0x38;
	[tilespmem:$0x18100] =	vst v63  }
0x81: {  	_ =	swait.ge [sflag:s20], $0x4000  }
0x82: {  	[sflag:s20] =	ssyncset.done $0x0  }
0x83: {  	[sflag:s20] =	ssyncadd.s32 $0xFFFFC000  }
0x84: {  	[hbm4b:s15+s5] =	stream.linear.scatter [tilespmem:s19], [sflag:$0x2], $0x4000, $0x38;
	[tilespmem:$0x18100] =	vst v63  }
0x85: {  	_ =	swait.ge [sflag:s20], $0x4000  }
0x86: {  	[sflag:s20] =	ssyncset.done $0x0  }
0x87: {  	[sflag:s20] =	ssyncadd.s32 $0xFFFFC000  }
0x88: {  	[tilespmem:s19], [sflag:$0x2] =	stream.linear.gather [spmem:s10], $0x4000, $0x38;
	[tilespmem:$0x18100] =	vst v63  }
0x89: {  	_ =	swait.ge [sflag:s20], $0x4000  }
0x8a: {  	[sflag:s20] =	ssyncset.done $0x0  }
0x8b: {  	[sflag:s20] =	ssyncadd.s32 $0xFFFFC000  }
0x8c: {  	[hbm4b:s16+s5] =	stream.linear.scatter [tilespmem:s19], [sflag:$0x2], $0x4000, $0x38;
	[tilespmem:$0x18100] =	vst v63  }
0x8d: {  	_ =	swait.ge [sflag:s20], $0x4000  }
0x8e: {  	[sflag:s20] =	ssyncset.done $0x0  }
0x8f: {  	[sflag:s20] =	ssyncadd.s32 $0xFFFFC000  }
0x90: {  	[tilespmem:s19], [sflag:$0x2] =	stream.linear.gather [spmem:s11], $0x4000, $0x38;
	[tilespmem:$0x18100] =	vst v63  }
0x91: {  	s23 =	sadd.s32 $0x1, s23;
	_ =	swait.ge [sflag:s20], $0x4000  }
0x92: {  	p0 =	sne.s32 s23, s18;
	[sflag:s20] =	ssyncset.done $0x0  }
.Ltmp2:
0x93: {  	[sflag:s20] =	ssyncadd.s32 $0xFFFFC000;
	(pc) =	sbr.rel @p0 .LBB2_1-.Ltmp2, $4  }
0x94: {  	[hbm4b:s17+s5] =	stream.linear.scatter [tilespmem:s19], [sflag:$0x2], $0x4000, $0x38;
	[tilespmem:$0x18100] =	vst v63  }
0x95: {  	_ =	swait.ge [sflag:s20], $0x4000  }
0x96: {  	[sflag:s20] =	ssyncset.done $0x0  }
0x97: {  	[sflag:s20] =	ssyncadd.s32 $0xFFFFC000  }
0x98: {  	_ =	sfence.sel $0x180000  }
0x99: {  	[bflag:$0x0] =	sbarrier.arrive $0xFFFF  }
0x9a: {  	p0 =	sne.s32 s4, $0x0;
	_ =	strace $0x9000004A  }
0x9b: {  	s0 =	sadd.s32 @!p0 $0x100000, s0;
	[bflag:$0x2] =	sbarrier.arrive $0xFFFF  }
0x9c: {  	[sflag:s0] =	ssyncadd.tile.s32 @!p0 $0x1;
	_ =	shalt  }
.Lfunc_end2:
_tile_overlayer_lowered:
.L_overlay_start_2:
0x9d: {  	(tag) =	ssettag $0x2  }
0x9e: {  	s0 =	rddreg [dreg:$0x0];
	s2 =	stileid.u32  }
0x9f: {  	s1 =	rddreg [dreg:$0x1];
	p0 =	sne.s32 s2, $0x0  }
0xa0: {  	s3 =	rddreg [dreg:$0x2];
	[bflag:$0x3] =	sbarrier.arrive $0xFFFF;
	s2 =	simm.s32 @!p0 $0x1C02  }
0xa1: {  	[timem:s3], [sflag:s2] =	dma.local @!p0 [hbm:s0], s1  }
0xa2: {  	s0 =	simm.s32 @!p0 $0x2  }
0xa3: {  	_ =	swait.ge @!p0 [sflag:s0], s1  }
0xa4: {  	s1 =	ssub.s32 @!p0 $0x0, s1;
	[sflag:s0] =	ssyncset.done @!p0 $0x0  }
0xa5: {  	[sflag:s0] =	ssyncadd.s32 @!p0 s1  }
0xa6: {  	[bflag:$0x3] =	sbarrier.arrive $0xFFFF  }
0xa7: {  	_ =	shalt  }

// kernel: kernel.9.cloned.1.call-start
scs
__scs_entry_jumppad:
0x0: {  	(pc) =	sbr.rel $0x88, $3  }
0x1: {  	(tag) =	ssettag $0x0;
	lr =	simm.s32 $0x1  }
0x2: {  	[smem:$0x3F9C] =	sst lr;
	_ =	strace $0xD0000000  }
0x3: {  	_ = 	snop  }
0x4: {  	_ = 	snop  }
0x5: {  	_ = 	snop  }
0x6: {  	_ = 	snop  }
0x7: {  	_ = 	snop  }
__scs_overlays_trampoline_lowered:
0x8: {  	[smem:$0x3FAB] =	sst s0  }
0x9: {  	[smem:$0x3FAC] =	sst s1  }
0xa: {  	[smem:$0x3FAD] =	sst s2  }
0xb: {  	[smem:$0x3FAE] =	sst s3  }
0xc: {  	[smem:$0x3FAF] =	sst s4  }
0xd: {  	[smem:$0x3FB0] =	sst s5  }
0xe: {  	[smem:$0x3FB1] =	sst s6  }
0xf: {  	[smem:$0x3FB2] =	sst s7  }
0x10: {  	[smem:$0x3FB3] =	sst s8  }
0x11: {  	[smem:$0x3FB4] =	sst s9;
	s0 =	simm.s32 @!p0 $0x0  }
0x12: {  	s1 =	sld [smem:$0x3F9A];
	s0 =	simm.s32 @p0 $0x1  }
0x13: {  	[smem:$0x3FB5] =	sst s0;
	s0 =	simm.s32 @!p1 $0x0  }
0x14: {  	s2 =	sld [smem:$0x3F99];
	s0 =	simm.s32 @p1 $0x1  }
0x15: {  	[smem:$0x3FB6] =	sst s0;
	s0 =	simm.s32 @!p2 $0x0  }
0x16: {  	s3 =	sld [smem:$0x3FDB];
	s0 =	simm.s32 @p2 $0x1  }
0x17: {  	s4 =	simm.s32 $0x1BF5;
	[smem:$0x3FB8] =	sst s0  }
0x18: {  	s0 =	sld [smem:$0x3F9B];
	_ =	swait.ge [sflag:s4], $0x0  }
0x19: {  	s7 =	sld [smem:$0x3F9C]  }
0x1a: {  	s8 =	sadd.s32 $0xFFFFE003, lr  }
0x1b: {  	s9 =	sadd.s32 $0xFFFFFEF7, lr;
	s5 =	simm.s32 $0xFFFFFFFF;
	p2 =	slt.u32 s8, $0xFFFFF086  }
0x1c: {  	p1 =	slt.u32 s9, $0xF7A;
	s5 =	simm.s32 @!p2 $0x0  }
0x1d: {  	s5 =	simm.s32 @p1 $0x1;
	p0 =	seq.s32 s7, s2  }
0x1e: {  	s7 =	smul.u32 @!p0 $0xF7A, s2;
	p2 =	seq.s32 @!p0 s5, $0x0  }
0x1f: {  	s9 =	smul.u32 $0xF7A, s1;
	s8 =	simm.s32 @!p0 $0x1BF5;
	p2 =	por !p2, p0  }
0x20: {  	[sflag:s8] =	ssyncset.s32 @!p0 $0xFFFFF086;
	s6 =	sadd.s32 @!p0 s3, s7;
	s7 =	simm.s32 @!p0 $0x108  }
0x21: {  	s3 =	sadd.s32 s3, s9;
	s6 =	sadd.s32 @!p0 $0x88, s6;
	s7 =	simm.s32 @p2 $0x1082  }
0x22: {  	[simem:s7], [sflag:s8] =	dma.local @!p0 [hbm:s6], $0xF7A  }
0x23: {  	s9 =	sor.u32 $0xD0000000, s2;
	s6 =	simm.s32 $0x108;
	_ =	swait.ge @!p0 [sflag:s8], $0x0  }
0x24: {  	s3 =	sadd.s32 $0x88, s3;
	s6 =	simm.s32 @!p1 $0x1082;
	[sflag:s4] =	ssyncset.s32 $0xFFFFF086  }
0x25: {  	[simem:s6], [sflag:s4] =	dma.local [hbm:s3], $0xF7A  }
0x26: {  	[smem:$0x3F9C] =	sst s1;
	(tag) =	ssettag s2;
	_ =	strace s9  }
0x27: {  	s1 =	sld [smem:$0x3FAC]  }
0x28: {  	s2 =	sld [smem:$0x3FAD]  }
0x29: {  	s4 =	sld [smem:$0x3FAF]  }
0x2a: {  	p0 =	seq.s32 s5, $0x0;
	s5 =	sld [smem:$0x3FB0]  }
0x2b: {  	s6 =	sld [smem:$0x3FB1]  }
0x2c: {  	s7 =	sld [smem:$0x3FB2]  }
0x2d: {  	s3 =	simm.s32 $0x108;
	s8 =	sld [smem:$0x3FB3]  }
0x2e: {  	s3 =	simm.s32 @!p0 $0x1082;
	s9 =	sld [smem:$0x3FB4]  }
0x2f: {  	lr =	sadd.s32 s0, s3;
	s0 =	sld [smem:$0x3FAB]  }
0x30: {  	s3 =	sld [smem:$0x3FAE]  }
0x31: {  	[smem:$0x3FB7] =	sst s10  }
0x32: {  	s10 =	sld [smem:$0x3FB5];
	_ =	sdelay $0x3  }
0x33: {  	p0 =	seq.s32 s10, $0x1;
	s10 =	sld [smem:$0x3FB7];
	_ =	sdelay $0x3  }
0x34: {  	[smem:$0x3FB7] =	sst s10  }
0x35: {  	s10 =	sld [smem:$0x3FB6];
	_ =	sdelay $0x3  }
0x36: {  	p1 =	seq.s32 s10, $0x1;
	s10 =	sld [smem:$0x3FB7];
	_ =	sdelay $0x3  }
0x37: {  	[smem:$0x3FB7] =	sst s10  }
0x38: {  	s10 =	sld [smem:$0x3FB8]  }
0x39: {  	_ = 	snop;
	(pc) =	sbr.ind lr, $3  }
0x3a: {  	_ = 	snop  }
0x3b: {  	_ = 	snop  }
0x3c: {  	p2 =	seq.s32 s10, $0x1;
	s10 =	sld [smem:$0x3FB7]  }
0x3d: {  	_ =	shalt  }
0x3e: {  	_ =	shalt  }
0x3f: {  	_ =	shalt  }
0x40: {  	_ =	shalt  }
0x41: {  	_ =	shalt  }
0x42: {  	_ =	shalt  }
0x43: {  	_ =	shalt  }
0x44: {  	_ =	shalt  }
0x45: {  	_ =	shalt  }
0x46: {  	_ =	shalt  }
0x47: {  	_ =	shalt  }
0x48: {  	_ =	shalt  }
0x49: {  	_ =	shalt  }
0x4a: {  	_ =	shalt  }
0x4b: {  	_ =	shalt  }
0x4c: {  	_ =	shalt  }
0x4d: {  	_ =	shalt  }
0x4e: {  	_ =	shalt  }
0x4f: {  	_ =	shalt  }
0x50: {  	_ =	shalt  }
0x51: {  	_ =	shalt  }
0x52: {  	_ =	shalt  }
0x53: {  	_ =	shalt  }
0x54: {  	_ =	shalt  }
0x55: {  	_ =	shalt  }
0x56: {  	_ =	shalt  }
0x57: {  	_ =	shalt  }
0x58: {  	_ =	shalt  }
0x59: {  	_ =	shalt  }
0x5a: {  	_ =	shalt  }
0x5b: {  	_ =	shalt  }
0x5c: {  	_ =	shalt  }
0x5d: {  	_ =	shalt  }
0x5e: {  	_ =	shalt  }
0x5f: {  	_ =	shalt  }
0x60: {  	_ =	shalt  }
0x61: {  	_ =	shalt  }
0x62: {  	_ =	shalt  }
0x63: {  	_ =	shalt  }
0x64: {  	_ =	shalt  }
0x65: {  	_ =	shalt  }
0x66: {  	_ =	shalt  }
0x67: {  	_ =	shalt  }
0x68: {  	_ =	shalt  }
0x69: {  	_ =	shalt  }
0x6a: {  	_ =	shalt  }
0x6b: {  	_ =	shalt  }
0x6c: {  	_ =	shalt  }
0x6d: {  	_ =	shalt  }
0x6e: {  	_ =	shalt  }
0x6f: {  	_ =	shalt  }
0x70: {  	_ =	shalt  }
0x71: {  	_ =	shalt  }
0x72: {  	_ =	shalt  }
0x73: {  	_ =	shalt  }
0x74: {  	_ =	shalt  }
0x75: {  	_ =	shalt  }
0x76: {  	_ =	shalt  }
0x77: {  	_ =	shalt  }
0x78: {  	_ =	shalt  }
0x79: {  	_ =	shalt  }
0x7a: {  	_ =	shalt  }
0x7b: {  	_ =	shalt  }
0x7c: {  	_ =	shalt  }
0x7d: {  	_ =	shalt  }
0x7e: {  	_ =	shalt  }
0x7f: {  	_ =	shalt  }
0x80: {  	_ =	shalt  }
0x81: {  	_ =	shalt  }
0x82: {  	_ =	shalt  }
0x83: {  	_ =	shalt  }
0x84: {  	_ =	shalt  }
0x85: {  	_ =	shalt  }
0x86: {  	_ =	shalt  }
0x87: {  	_ =	shalt  }
.Lfunc_end0:
.L_simem_size_0:
called_computation.1_lowered:
.L_overlay_start_0:
0x88: {  	s2 =	sld [smem:$0x3FD9]  }
0x89: {  	s3 =	sld [smem:$0x3FFE];
	_ =	sdelay $0x1  }
0x8a: {  	s1 =	srdreg.scid  }
0x8b: {  	s0 =	sand.u32 $0x1, s1  }
0x8c: {  	s16 =	sshll.u32 s0, $0xA;
	s2 =	sadd.s32 s3, s2  }
0x8d: {  	s2 =	sadd.s32 s2, s16  }
0x8e: {  	[smem:$0x3FC3] =	sst s2  }
0x8f: {  	_ = 	snop  }
0x90: {  	(tm) =	ssettm $0x1  }
0x91: {  	s17 =	sld [smem:$0x3FFB];
	_ =	sdelay $0x3  }
0x92: {  	_ =	strace s17  }
0x93: {  	s2 =	sld [smem:$0x3FFC];
	_ =	sdelay $0x3  }
0x94: {  	_ =	strace s2  }
0x95: {  	s2 =	sld [smem:$0x3FFD];
	_ =	sdelay $0x3  }
0x96: {  	_ =	strace s2  }
0x97: {  	_ =	strace $0x8FFFFFFF  }
0x98: {  	s18 =	sld [smem:$0x3FDB];
	_ =	sdelay $0x1  }
0x99: {  	s19 =	simm.s32 $_scs_section_size  }
0x9a: {  	s4 =	simm.s32 $_size__tile_overlayer_lowered;
	s5 =	simm.s32 $_tile_overlayer_lowered  }
0x9b: {  	s22 =	simm.s32 $0x1BFF;
	s21 =	sshll.u32 s5, $0x1;
	s2 =	sadd.s32 s19, s18  }
0x9c: {  	s6 =	simm.s32 $0x0;
	s20 =	sshll.u32 s4, $0x1;
	s4 =	sadd.s32 s21, s2  }
0x9d: {  	[timem:s6], [sflag:s22] =	dma.local [hbm:s4], s20  }
0x9e: {  	_ =	swait.ge [sflag:s22], s20  }
0x9f: {  	s3 =	ssub.s32 $0x0, s20;
	[sflag:s22] =	ssyncset.done $0x0  }
0xa0: {  	[sflag:s22] =	ssyncadd.s32 s3;
	_ =	sdelay $0x1  }
0xa1: {  	s23 =	simm.s32 $0x1B8B  }
0xa2: {  	_ =	swait.ge [sflag:s23], $0x1  }
0xa3: {  	[sflag:s23] =	ssyncset.done $0x0  }
0xa4: {  	s25 =	simm.s32 $0x1B8E;
	s24 =	sld [smem:$0x3FFE];
	[sflag:s23] =	ssyncadd.s32 $0xFFFFFFFF  }
0xa5: {  	s26 =	simm.s32 $execute0_lowered;
	[smem:$0x3FD2] =	sst s25  }
0xa6: {  	s4 =	sshll.u32 s26, $0x1;
	_ =	strace $0x80000046;
	[dreg:$0x1] =	wrdreg $0xFFFFFFFF  }
0xa7: {  	s28 =	simm.s32 $_size_execute0_lowered;
	s2 =	sadd.s32 s2, s4;
	[dreg:$0x0] =	wrdreg $0x0  }
0xa8: {  	s4 =	sshll.u32 s28, $0x1;
	[dreg:$0x2] =	wrdreg s2  }
0xa9: {  	[dreg:$0x3] =	wrdreg s4  }
0xaa: {  	[dreg:$0x4] =	wrdreg $0xC0  }
0xab: {  	_ =	task [dreg:s6], $0x5FFFF  }
0xac: {  	[dreg:$0x1] =	wrdreg $0xFFFFFFFF  }
0xad: {  	[dreg:$0x0] =	wrdreg $0x60  }
0xae: {  	[dreg:$0x2] =	wrdreg s24  }
0xaf: {  	[dreg:$0x3] =	wrdreg $0x44000  }
0xb0: {  	[dreg:$0x4] =	wrdreg $0xA  }
0xb1: {  	_ =	task.clear_ibuf [dreg:s6], $0x5FFFF;
	_ =	strace $0x90000046  }
0xb2: {  	s29 =	simm.s32 $0xA;
	_ =	strace $0x80000048  }
0xb3: {  	_ =	swait.ge [sflag:s29], $0x1  }
0xb4: {  	[sflag:s29] =	ssyncadd.s32 $0xFFFFFFFF  }
0xb5: {  	_ =	strace $0x90000048  }
0xb6: {  	_ =	sfence  }
0xb7: {  	s30 =	sld [smem:$0x0];
	_ =	sdelay $0x2  }
0xb8: {  	s31 =	sshll.u32 s1, $0xD;
	s1 =	sshrl.u32 s1, $0x2  }
0xb9: {  	s3 =	sand.u32 $0x4000, s31;
	s1 =	sadd.s32 s1, s30  }
0xba: {  	s0 =	sor.u32 s3, s0;
	s1 =	sshll.u32 s1, $0x11  }
0xbb: {  	s0 =	sor.u32 s1, s0  }
0xbc: {  	s0 =	sadd.s32 $0x8F2B, s0  }
0xbd: {  	[sflag:s0] =	ssyncadd.remote.s32 $0x1  }
0xbe: {  	_ =	sfence.sel $0xFFFF  }
0xbf: {  	[dreg:$0x0] =	wrdreg $0xFFFFFFFF;
	(pc) =	sbr.abs _section_cstart, $3  }
0xc0: {  	[dreg:$0x1] =	wrdreg $0xFFFFFFFF  }
0xc1: {  	_ =	task.clear_ibuf [dreg:s6], $0x2FFFF;
	_ =	strace $0x9FFFFFFF  }
0xc2: {  	(tm) =	ssettm $0x7FFFFFFF  }
0xc3: {  	_ =	shalt  }
tec
execute0_lowered:
.L_overlay_start_1:
0x0: {  	(tag) =	ssettag $0x1  }
0x1: {  	s4 =	rddreg [dreg:$0x0]  }
0x2: {  	s2 =	rddreg [dreg:$0x1]  }
0x3: {  	s0 =	srdreg.scid;
	s1 =	rddreg [dreg:$0x2];
	s3 =	simm.s32 $0x0  }
0x4: {  	s19 =	simm.s32 $0x100;
	s20 =	simm.s32 $0x180;
	s21 =	simm.s32 $0x200  }
0x5: {  	s22 =	simm.s32 $0x280;
	s23 =	simm.s32 $0x300;
	s5 =	sand.u32 $0x1, s0  }
0x6: {  	s24 =	simm.s32 $0x380;
	s0 =	stileid.u32;
	s6 =	smul.u32 $0x28000, s5  }
0x7: {  	s25 =	simm.s32 $0x1;
	s26 =	simm.s32 $0x0;
	s7 =	smul.u32 $0x2800, s0  }
0x8: {  	[smem:$0x7FF] =	sst s3;
	s13 =	sadd.s32 $0xB000, s4;
	s29 =	smul.u32 $0x50000, s0  }
0x9: {  	_ =	strace $0x80000047;
	s30 =	ssub.s32 $0x2, s5;
	s8 =	smul.u32 $0x14000, s0  }
0xa: {  	s16 =	smul.u32 $0x140000, s5;
	s31 =	sshrl.u32 s30, $0x1;
	s6 =	sadd.s32 s7, s6  }
0xb: {  	s7 =	sshrl.u32 s29, $0x2;
	s14 =	ssub.s32 s30, s31;
	s9 =	sadd.s32 $0x4000, s8  }
0xc: {  	s11 =	sadd.s32 $0x8000, s8;
	s12 =	sadd.s32 $0xC000, s8;
	s17 =	sadd.s32 $0x10000, s8  }
0xd: {  	s10 =	sadd.s32 s8, s16;
	s6 =	sshrl.u32 s6, $0x3;
	s5 =	sadd.s32 s9, s2  }
0xe: {  	s9 =	sadd.s32 s16, s9;
	s8 =	sadd.s32 s17, s2;
	s10 =	sshrl.u32 s10, $0x3  }
0xf: {  	s14 =	smax.u32 s14, $0x1;
	s15 =	sadd.s32 s6, s4;
	s4 =	sadd.s32 s7, s2  }
0x10: {  	s6 =	sadd.s32 s11, s2;
	s7 =	sadd.s32 s12, s2;
	s18 =	sshrl.u32 s9, $0x3  }
0x11: {  	s9 =	sadd.s32 s13, s10;
	s11 =	sadd.s32 s16, s11;
	s12 =	sadd.s32 s16, s12  }
0x12: {  	s16 =	sadd.s32 s16, s17;
	s17 =	simm.s32 $0x2;
	s10 =	sadd.s32 s13, s18  }
0x13: {  	s11 =	sshrl.u32 s11, $0x3;
	s12 =	sshrl.u32 s12, $0x3;
	s16 =	sshrl.u32 s16, $0x3  }
0x14: {  	v0 =	vimm.f32 $0.0e+00;
	vm0 =	vcmask $0x300;
	s15 =	sadd.s32 $0x1000, s15;
	s18 =	simm.s32 $0x80;
	s11 =	sadd.s32 s13, s11  }
0x15: {  	v1 =	vsel vm0, $0x3F800000, v0;
	s12 =	sadd.s32 s13, s12;
	s13 =	sadd.s32 s13, s16;
	s16 =	simm.s32 $0x400  }
.LBB2_1:
0x16: {  	s28 =	simm.s32 $0x0;
	s29 =	simm.s32 $0x200  }
.LBB2_2:
0x17: {  	p0 =	sne.s32 s29, $0xFE00;
	[tilespmem:s28+$0x470] =	vst v0  }
0x18: {  	[tilespmem:s28+$0x400] =	vst v0  }
0x19: {  	[tilespmem:s28+$0x410] =	vst v0  }
.Ltmp0:
0x1a: {  	[tilespmem:s28+$0x420] =	vst v0;
	(pc) =	sbr.rel @p0 .LBB2_2-.Ltmp0, $4  }
0x1b: {  	[tilespmem:s28+$0x430] =	vst v0  }
0x1c: {  	[tilespmem:s28+$0x440] =	vst v0  }
0x1d: {  	[tilespmem:s28+$0x450] =	vst v0  }
0x1e: {  	[tilespmem:s28+$0x460] =	vst v0;
	s28 =	sshra.s32 s29, $0x2;
	s29 =	sadd.s32 $0x200, s29  }
0x1f: {  	[tilespmem:s28+$0x470] =	vst v0  }
0x20: {  	[tilespmem:s28+$0x400] =	vst v0  }
0x21: {  	[tilespmem:s28+$0x410] =	vst v0  }
0x22: {  	[tilespmem:s28+$0x420] =	vst v0  }
0x23: {  	[tilespmem:s28+$0x430] =	vst v0  }
0x24: {  	[tilespmem:s28+$0x440] =	vst v0  }
0x25: {  	[tilespmem:s28+$0x450] =	vst v0  }
0x26: {  	[tilespmem:s28+$0x460] =	vst v0  }
0x27: {  	[spmem:s4] =	stream.linear.scatter [tilespmem:s16], [sflag:$0x2], $0x4000, $0x38;
	[tilespmem:$0x18400] =	vst v63  }
0x28: {  	_ =	swait.ge [sflag:s17], $0x4000  }
0x29: {  	[sflag:s17] =	ssyncset.done $0x0  }
0x2a: {  	[sflag:s17] =	ssyncadd.s32 $0xFFFFC000  }
0x2b: {  	[spmem:s5] =	stream.linear.scatter [tilespmem:s16], [sflag:$0x2], $0x4000, $0x38;
	[tilespmem:$0x18400] =	vst v63  }
0x2c: {  	_ =	swait.ge [sflag:s17], $0x4000  }
0x2d: {  	[sflag:s17] =	ssyncset.done $0x0  }
0x2e: {  	[sflag:s17] =	ssyncadd.s32 $0xFFFFC000  }
0x2f: {  	[spmem:s6] =	stream.linear.scatter [tilespmem:s16], [sflag:$0x2], $0x4000, $0x38;
	[tilespmem:$0x18400] =	vst v63  }
0x30: {  	_ =	swait.ge [sflag:s17], $0x4000  }
0x31: {  	[sflag:s17] =	ssyncset.done $0x0  }
0x32: {  	[sflag:s17] =	ssyncadd.s32 $0xFFFFC000  }
0x33: {  	[spmem:s7] =	stream.linear.scatter [tilespmem:s16], [sflag:$0x2], $0x4000, $0x38;
	[tilespmem:$0x18400] =	vst v63  }
0x34: {  	_ =	swait.ge [sflag:s17], $0x4000  }
0x35: {  	[sflag:s17] =	ssyncset.done $0x0  }
0x36: {  	[sflag:s17] =	ssyncadd.s32 $0xFFFFC000  }
0x37: {  	[spmem:s8] =	stream.linear.scatter [tilespmem:s16], [sflag:$0x2], $0x4000, $0x38;
	[tilespmem:$0x18400] =	vst v63  }
0x38: {  	_ =	swait.ge [sflag:s17], $0x4000  }
0x39: {  	[sflag:s17] =	ssyncset.done $0x0  }
0x3a: {  	s28 =	simm.s32 $0x200;
	s29 =	simm.s32 $0x0;
	[sflag:s17] =	ssyncadd.s32 $0xFFFFC000  }
.LBB2_4:
0x3b: {  	p0 =	sne.s32 s28, $0xFE00;
	[tilespmem:s29+$0x400] =	vst v1;
	s29 =	smov.u32 s28;
	s28 =	sadd.s32 $0x200, s28  }
.Ltmp1:
0x3c: {  	(pc) =	sbr.rel @p0 .LBB2_4-.Ltmp1, $2  }
0x3d: {  	_ =	sdelay $0x2  }
0x3e: {  	s29 =	sshra.s32 s29, $0x2  }
0x3f: {  	[tilespmem:s29+$0x400] =	vst v1  }
0x40: {  	s28 =	sadd.s32 $0x0, s15;
	[bflag:$0x0] =	sbarrier.arrive $0xFFFF  }
0x41: {  	[tilespmem:s3], [sflag:$0x2] =	stream.linear.gather [hbm4b:s28+s3], $0x400, $0x38;
	[tilespmem:$0x18400] =	vst v63  }
0x42: {  	_ =	swait.ge [sflag:s17], $0x400  }
0x43: {  	[sflag:s17] =	ssyncset.done $0x0  }
0x44: {  	[sflag:s17] =	ssyncadd.s32 $0xFFFFFC00  }
0x45: {  	[spmem:s2] =	stream.indirect.scatter.add.f32 [tilespmem:s16], [sflag:$0x1], $0x80, s3, s18, $0xb8;
	[tilespmem:$0x18400] =	vst v63  }
0x46: {  	_ = 	snop  }
0x47: {  	[spmem:s2] =	stream.indirect.scatter.add.f32 [tilespmem:s16], [sflag:$0x1], $0x80, s18, s18, $0xb8;
	[tilespmem:$0x18400] =	vst v63  }
0x48: {  	_ = 	snop  }
0x49: {  	[spmem:s2] =	stream.indirect.scatter.add.f32 [tilespmem:s16], [sflag:$0x1], $0x80, s19, s18, $0xb8;
	[tilespmem:$0x18400] =	vst v63  }
0x4a: {  	_ = 	snop  }
0x4b: {  	[spmem:s2] =	stream.indirect.scatter.add.f32 [tilespmem:s16], [sflag:$0x1], $0x80, s20, s18, $0xb8;
	[tilespmem:$0x18400] =	vst v63  }
0x4c: {  	_ = 	snop  }
0x4d: {  	[spmem:s2] =	stream.indirect.scatter.add.f32 [tilespmem:s16], [sflag:$0x1], $0x80, s21, s18, $0xb8;
	[tilespmem:$0x18400] =	vst v63  }
0x4e: {  	_ = 	snop  }
0x4f: {  	[spmem:s2] =	stream.indirect.scatter.add.f32 [tilespmem:s16], [sflag:$0x1], $0x80, s22, s18, $0xb8;
	[tilespmem:$0x18400] =	vst v63  }
0x50: {  	_ = 	snop  }
0x51: {  	[spmem:s2] =	stream.indirect.scatter.add.f32 [tilespmem:s16], [sflag:$0x1], $0x80, s23, s18, $0xb8;
	[tilespmem:$0x18400] =	vst v63  }
0x52: {  	_ = 	snop  }
0x53: {  	[spmem:s2] =	stream.indirect.scatter.add.f32 [tilespmem:s16], [sflag:$0x1], $0x80, s24, s18, $0xb8;
	[tilespmem:$0x18400] =	vst v63  }
0x54: {  	_ =	swait.ge [sflag:s25], $0x4000  }
0x55: {  	[sflag:s25] =	ssyncset.done $0x0  }
0x56: {  	[sflag:s25] =	ssyncadd.s32 $0xFFFFC000  }
0x57: {  	_ =	swait.ge [sflag:s25], $0x4000  }
0x58: {  	[sflag:s25] =	ssyncset.done $0x0  }
0x59: {  	[sflag:s25] =	ssyncadd.s32 $0xFFFFC000  }
0x5a: {  	_ =	swait.ge [sflag:s25], $0x4000  }
0x5b: {  	[sflag:s25] =	ssyncset.done $0x0  }
0x5c: {  	[sflag:s25] =	ssyncadd.s32 $0xFFFFC000  }
0x5d: {  	_ =	swait.ge [sflag:s25], $0x4000  }
0x5e: {  	[sflag:s25] =	ssyncset.done $0x0  }
0x5f: {  	[sflag:s25] =	ssyncadd.s32 $0xFFFFC000  }
0x60: {  	_ =	swait.ge [sflag:s25], $0x4000  }
0x61: {  	[sflag:s25] =	ssyncset.done $0x0  }
0x62: {  	[sflag:s25] =	ssyncadd.s32 $0xFFFFC000  }
0x63: {  	_ =	swait.ge [sflag:s25], $0x4000  }
0x64: {  	[sflag:s25] =	ssyncset.done $0x0  }
0x65: {  	[sflag:s25] =	ssyncadd.s32 $0xFFFFC000  }
0x66: {  	_ =	swait.ge [sflag:s25], $0x4000  }
0x67: {  	[sflag:s25] =	ssyncset.done $0x0  }
0x68: {  	[sflag:s25] =	ssyncadd.s32 $0xFFFFC000  }
0x69: {  	_ =	swait.ge [sflag:s25], $0x4000  }
0x6a: {  	s30 =	simm.s32 $0x100;
	s28 =	simm.s32 $0x80;
	[sflag:s25] =	ssyncset.done $0x0  }
.LBB2_6:
0x6b: {  	s31 =	sadd.s32 s28, s15  }
0x6c: {  	[sflag:s25] =	ssyncadd.s32 $0xFFFFC000;
	s28 =	smov.u32 s30;
	s29 =	sadd.s32 $0x80, s30  }
0x6d: {  	[tilespmem:s3], [sflag:$0x2] =	stream.linear.gather [hbm4b:s31+s3], $0x400, $0x38;
	[tilespmem:$0x18400] =	vst v63  }
0x6e: {  	p0 =	sne.s32 s30, $0x480;
	_ =	swait.ge [sflag:s17], $0x400  }
0x6f: {  	[sflag:s17] =	ssyncset.done $0x0  }
0x70: {  	[sflag:s17] =	ssyncadd.s32 $0xFFFFFC00  }
0x71: {  	[spmem:s2] =	stream.indirect.scatter.add.f32 [tilespmem:s16], [sflag:$0x1], $0x80, s3, s18, $0xb8;
	[tilespmem:$0x18400] =	vst v63  }
0x72: {  	_ = 	snop  }
0x73: {  	[spmem:s2] =	stream.indirect.scatter.add.f32 [tilespmem:s16], [sflag:$0x1], $0x80, s18, s18, $0xb8;
	[tilespmem:$0x18400] =	vst v63  }
0x74: {  	_ = 	snop  }
0x75: {  	[spmem:s2] =	stream.indirect.scatter.add.f32 [tilespmem:s16], [sflag:$0x1], $0x80, s19, s18, $0xb8;
	[tilespmem:$0x18400] =	vst v63  }
0x76: {  	_ = 	snop  }
0x77: {  	[spmem:s2] =	stream.indirect.scatter.add.f32 [tilespmem:s16], [sflag:$0x1], $0x80, s20, s18, $0xb8;
	[tilespmem:$0x18400] =	vst v63  }
0x78: {  	_ = 	snop  }
0x79: {  	[spmem:s2] =	stream.indirect.scatter.add.f32 [tilespmem:s16], [sflag:$0x1], $0x80, s21, s18, $0xb8;
	[tilespmem:$0x18400] =	vst v63  }
0x7a: {  	_ = 	snop  }
0x7b: {  	[spmem:s2] =	stream.indirect.scatter.add.f32 [tilespmem:s16], [sflag:$0x1], $0x80, s22, s18, $0xb8;
	[tilespmem:$0x18400] =	vst v63  }
0x7c: {  	_ = 	snop  }
0x7d: {  	[spmem:s2] =	stream.indirect.scatter.add.f32 [tilespmem:s16], [sflag:$0x1], $0x80, s23, s18, $0xb8;
	[tilespmem:$0x18400] =	vst v63  }
0x7e: {  	_ = 	snop  }
0x7f: {  	[spmem:s2] =	stream.indirect.scatter.add.f32 [tilespmem:s16], [sflag:$0x1], $0x80, s24, s18, $0xb8;
	[tilespmem:$0x18400] =	vst v63  }
0x80: {  	_ =	swait.ge [sflag:s25], $0x4000  }
0x81: {  	[sflag:s25] =	ssyncset.done $0x0  }
0x82: {  	[sflag:s25] =	ssyncadd.s32 $0xFFFFC000  }
0x83: {  	_ =	swait.ge [sflag:s25], $0x4000  }
0x84: {  	[sflag:s25] =	ssyncset.done $0x0  }
0x85: {  	[sflag:s25] =	ssyncadd.s32 $0xFFFFC000  }
0x86: {  	_ =	swait.ge [sflag:s25], $0x4000  }
0x87: {  	[sflag:s25] =	ssyncset.done $0x0  }
0x88: {  	[sflag:s25] =	ssyncadd.s32 $0xFFFFC000  }
0x89: {  	_ =	swait.ge [sflag:s25], $0x4000  }
0x8a: {  	[sflag:s25] =	ssyncset.done $0x0  }
0x8b: {  	[sflag:s25] =	ssyncadd.s32 $0xFFFFC000  }
0x8c: {  	_ =	swait.ge [sflag:s25], $0x4000  }
0x8d: {  	[sflag:s25] =	ssyncset.done $0x0  }
0x8e: {  	[sflag:s25] =	ssyncadd.s32 $0xFFFFC000  }
0x8f: {  	_ =	swait.ge [sflag:s25], $0x4000  }
0x90: {  	[sflag:s25] =	ssyncset.done $0x0  }
0x91: {  	[sflag:s25] =	ssyncadd.s32 $0xFFFFC000  }
.Ltmp2:
0x92: {  	_ =	swait.ge [sflag:s25], $0x4000;
	(pc) =	sbr.rel @p0 .LBB2_6-.Ltmp2, $4  }
0x93: {  	[sflag:s25] =	ssyncset.done $0x0  }
0x94: {  	[sflag:s25] =	ssyncadd.s32 $0xFFFFC000  }
0x95: {  	_ =	swait.ge [sflag:s25], $0x4000  }
0x96: {  	s30 =	smov.u32 s29;
	[sflag:s25] =	ssyncset.done $0x0  }
0x97: {  	s28 =	sadd.s32 s28, s15;
	[sflag:s25] =	ssyncadd.s32 $0xFFFFC000  }
0x98: {  	[tilespmem:s3], [sflag:$0x2] =	stream.linear.gather [hbm4b:s28+s3], $0x400, $0x38;
	[tilespmem:$0x18400] =	vst v63  }
0x99: {  	_ =	swait.ge [sflag:s17], $0x400  }
0x9a: {  	[sflag:s17] =	ssyncset.done $0x0  }
0x9b: {  	[sflag:s17] =	ssyncadd.s32 $0xFFFFFC00  }
0x9c: {  	[spmem:s2] =	stream.indirect.scatter.add.f32 [tilespmem:s16], [sflag:$0x1], $0x80, s3, s18, $0xb8;
	[tilespmem:$0x18400] =	vst v63  }
0x9d: {  	_ = 	snop  }
0x9e: {  	[spmem:s2] =	stream.indirect.scatter.add.f32 [tilespmem:s16], [sflag:$0x1], $0x80, s18, s18, $0xb8;
	[tilespmem:$0x18400] =	vst v63  }
0x9f: {  	_ = 	snop  }
0xa0: {  	[spmem:s2] =	stream.indirect.scatter.add.f32 [tilespmem:s16], [sflag:$0x1], $0x80, s19, s18, $0xb8;
	[tilespmem:$0x18400] =	vst v63  }
0xa1: {  	_ = 	snop  }
0xa2: {  	[spmem:s2] =	stream.indirect.scatter.add.f32 [tilespmem:s16], [sflag:$0x1], $0x80, s20, s18, $0xb8;
	[tilespmem:$0x18400] =	vst v63  }
0xa3: {  	_ = 	snop  }
0xa4: {  	[spmem:s2] =	stream.indirect.scatter.add.f32 [tilespmem:s16], [sflag:$0x1], $0x80, s21, s18, $0xb8;
	[tilespmem:$0x18400] =	vst v63  }
0xa5: {  	_ = 	snop  }
0xa6: {  	[spmem:s2] =	stream.indirect.scatter.add.f32 [tilespmem:s16], [sflag:$0x1], $0x80, s22, s18, $0xb8;
	[tilespmem:$0x18400] =	vst v63  }
0xa7: {  	_ = 	snop  }
0xa8: {  	[spmem:s2] =	stream.indirect.scatter.add.f32 [tilespmem:s16], [sflag:$0x1], $0x80, s23, s18, $0xb8;
	[tilespmem:$0x18400] =	vst v63  }
0xa9: {  	_ = 	snop  }
0xaa: {  	[spmem:s2] =	stream.indirect.scatter.add.f32 [tilespmem:s16], [sflag:$0x1], $0x80, s24, s18, $0xb8;
	[tilespmem:$0x18400] =	vst v63  }
0xab: {  	_ =	swait.ge [sflag:s25], $0x4000  }
0xac: {  	[sflag:s25] =	ssyncset.done $0x0  }
0xad: {  	[sflag:s25] =	ssyncadd.s32 $0xFFFFC000  }
0xae: {  	_ =	swait.ge [sflag:s25], $0x4000  }
0xaf: {  	[sflag:s25] =	ssyncset.done $0x0  }
0xb0: {  	[sflag:s25] =	ssyncadd.s32 $0xFFFFC000  }
0xb1: {  	_ =	swait.ge [sflag:s25], $0x4000  }
0xb2: {  	[sflag:s25] =	ssyncset.done $0x0  }
0xb3: {  	[sflag:s25] =	ssyncadd.s32 $0xFFFFC000  }
0xb4: {  	_ =	swait.ge [sflag:s25], $0x4000  }
0xb5: {  	[sflag:s25] =	ssyncset.done $0x0  }
0xb6: {  	[sflag:s25] =	ssyncadd.s32 $0xFFFFC000  }
0xb7: {  	_ =	swait.ge [sflag:s25], $0x4000  }
0xb8: {  	[sflag:s25] =	ssyncset.done $0x0  }
0xb9: {  	[sflag:s25] =	ssyncadd.s32 $0xFFFFC000  }
0xba: {  	_ =	swait.ge [sflag:s25], $0x4000  }
0xbb: {  	[sflag:s25] =	ssyncset.done $0x0  }
0xbc: {  	[sflag:s25] =	ssyncadd.s32 $0xFFFFC000  }
0xbd: {  	_ =	swait.ge [sflag:s25], $0x4000  }
0xbe: {  	[sflag:s25] =	ssyncset.done $0x0  }
0xbf: {  	[sflag:s25] =	ssyncadd.s32 $0xFFFFC000  }
0xc0: {  	_ =	swait.ge [sflag:s25], $0x4000  }
0xc1: {  	[sflag:s25] =	ssyncset.done $0x0  }
0xc2: {  	[sflag:s25] =	ssyncadd.s32 $0xFFFFC000  }
0xc3: {  	[bflag:$0x0] =	sbarrier.arrive $0xFFFF  }
0xc4: {  	[tilespmem:s16], [sflag:$0x2] =	stream.linear.gather [spmem:s4], $0x4000, $0x38;
	[tilespmem:$0x18400] =	vst v63  }
0xc5: {  	_ =	swait.ge [sflag:s17], $0x4000  }
0xc6: {  	[sflag:s17] =	ssyncset.done $0x0  }
0xc7: {  	[sflag:s17] =	ssyncadd.s32 $0xFFFFC000  }
0xc8: {  	[hbm4b:s9+s3] =	stream.linear.scatter [tilespmem:s16], [sflag:$0x2], $0x4000, $0x38;
	[tilespmem:$0x18400] =	vst v63  }
0xc9: {  	_ =	swait.ge [sflag:s17], $0x4000  }
0xca: {  	[sflag:s17] =	ssyncset.done $0x0  }
0xcb: {  	[sflag:s17] =	ssyncadd.s32 $0xFFFFC000  }
0xcc: {  	[tilespmem:s16], [sflag:$0x2] =	stream.linear.gather [spmem:s5], $0x4000, $0x38;
	[tilespmem:$0x18400] =	vst v63  }
0xcd: {  	_ =	swait.ge [sflag:s17], $0x4000  }
0xce: {  	[sflag:s17] =	ssyncset.done $0x0  }
0xcf: {  	[sflag:s17] =	ssyncadd.s32 $0xFFFFC000  }
0xd0: {  	[hbm4b:s10+s3] =	stream.linear.scatter [tilespmem:s16], [sflag:$0x2], $0x4000, $0x38;
	[tilespmem:$0x18400] =	vst v63  }
0xd1: {  	_ =	swait.ge [sflag:s17], $0x4000  }
0xd2: {  	[sflag:s17] =	ssyncset.done $0x0  }
0xd3: {  	[sflag:s17] =	ssyncadd.s32 $0xFFFFC000  }
0xd4: {  	[tilespmem:s16], [sflag:$0x2] =	stream.linear.gather [spmem:s6], $0x4000, $0x38;
	[tilespmem:$0x18400] =	vst v63  }
0xd5: {  	_ =	swait.ge [sflag:s17], $0x4000  }
0xd6: {  	[sflag:s17] =	ssyncset.done $0x0  }
0xd7: {  	[sflag:s17] =	ssyncadd.s32 $0xFFFFC000  }
0xd8: {  	[hbm4b:s11+s3] =	stream.linear.scatter [tilespmem:s16], [sflag:$0x2], $0x4000, $0x38;
	[tilespmem:$0x18400] =	vst v63  }
0xd9: {  	_ =	swait.ge [sflag:s17], $0x4000  }
0xda: {  	[sflag:s17] =	ssyncset.done $0x0  }
0xdb: {  	[sflag:s17] =	ssyncadd.s32 $0xFFFFC000  }
0xdc: {  	[tilespmem:s16], [sflag:$0x2] =	stream.linear.gather [spmem:s7], $0x4000, $0x38;
	[tilespmem:$0x18400] =	vst v63  }
0xdd: {  	_ =	swait.ge [sflag:s17], $0x4000  }
0xde: {  	[sflag:s17] =	ssyncset.done $0x0  }
0xdf: {  	[sflag:s17] =	ssyncadd.s32 $0xFFFFC000  }
0xe0: {  	[hbm4b:s12+s3] =	stream.linear.scatter [tilespmem:s16], [sflag:$0x2], $0x4000, $0x38;
	[tilespmem:$0x18400] =	vst v63  }
0xe1: {  	_ =	swait.ge [sflag:s17], $0x4000  }
0xe2: {  	[sflag:s17] =	ssyncset.done $0x0  }
0xe3: {  	[sflag:s17] =	ssyncadd.s32 $0xFFFFC000  }
0xe4: {  	[tilespmem:s16], [sflag:$0x2] =	stream.linear.gather [spmem:s8], $0x4000, $0x38;
	[tilespmem:$0x18400] =	vst v63  }
0xe5: {  	s26 =	sadd.s32 $0x1, s26;
	_ =	swait.ge [sflag:s17], $0x4000  }
0xe6: {  	p0 =	sne.s32 s26, s14;
	[sflag:s17] =	ssyncset.done $0x0  }
.Ltmp3:
0xe7: {  	[sflag:s17] =	ssyncadd.s32 $0xFFFFC000;
	(pc) =	sbr.rel @p0 .LBB2_1-.Ltmp3, $4  }
0xe8: {  	[hbm4b:s13+s3] =	stream.linear.scatter [tilespmem:s16], [sflag:$0x2], $0x4000, $0x38;
	[tilespmem:$0x18400] =	vst v63  }
0xe9: {  	_ =	swait.ge [sflag:s17], $0x4000  }
0xea: {  	[sflag:s17] =	ssyncset.done $0x0  }
0xeb: {  	[sflag:s17] =	ssyncadd.s32 $0xFFFFC000  }
0xec: {  	_ =	sfence.sel $0x180000  }
0xed: {  	[bflag:$0x0] =	sbarrier.arrive $0xFFFF  }
0xee: {  	p0 =	sne.s32 s0, $0x0;
	_ =	strace $0x90000047  }
0xef: {  	s0 =	sadd.s32 @!p0 $0x100000, s1;
	[bflag:$0x2] =	sbarrier.arrive $0xFFFF  }
0xf0: {  	[sflag:s0] =	ssyncadd.tile.s32 @!p0 $0x1;
	_ =	shalt  }
.Lfunc_end2:
_tile_overlayer_lowered:
.L_overlay_start_2:
0xf1: {  	(tag) =	ssettag $0x2  }
0xf2: {  	s0 =	rddreg [dreg:$0x0];
	s2 =	stileid.u32  }
0xf3: {  	s1 =	rddreg [dreg:$0x1];
	p0 =	sne.s32 s2, $0x0  }
0xf4: {  	s3 =	rddreg [dreg:$0x2];
	[bflag:$0x3] =	sbarrier.arrive $0xFFFF;
	s2 =	simm.s32 @!p0 $0x1C02  }
0xf5: {  	[timem:s3], [sflag:s2] =	dma.local @!p0 [hbm:s0], s1  }
0xf6: {  	s0 =	simm.s32 @!p0 $0x2  }
0xf7: {  	_ =	swait.ge @!p0 [sflag:s0], s1  }
0xf8: {  	s1 =	ssub.s32 @!p0 $0x0, s1;
	[sflag:s0] =	ssyncset.done @!p0 $0x0  }
0xf9: {  	[sflag:s0] =	ssyncadd.s32 @!p0 s1  }
0xfa: {  	[bflag:$0x3] =	sbarrier.arrive $0xFFFF  }
0xfb: {  	_ =	shalt  }

</sc_bundles>
